<compile_context>
chip_gen: v7x
topology: tpu7x:2x2x1
jax: 0.10.2.dev20260603
libtpu: 0.0.44.dev20260713+nightly
codegen_flags: <defaults>
</compile_context>

<pallas_src>
import jax
import jax.numpy as jnp
from jax import lax
from jax.experimental import pallas as pl
from jax.experimental.pallas import tpu as pltpu
from jax.experimental.pallas import tpu_sc as plsc

B, L, D = 4, 8192, 1024
N_TOK = B * L
NC, NS = 2, 16
NW = NC * NS
TOK_PER_W = N_TOK // NW
N_GRP16 = TOK_PER_W // 16
REP = 16


def _sc_body(table_hbm, idx_hbm, out_hbm, idx_v, l0_v, l1_v, t0_v, t1_v,
             rep0, rep1, sem):
    wid = lax.axis_index("s") * NC + lax.axis_index("c")
    base = wid * TOK_PER_W
    idx_cp = pltpu.async_copy(idx_hbm.at[pl.ds(base, TOK_PER_W)], idx_v, sem)
    pltpu.sync_copy(table_hbm.at[0], t0_v)
    pltpu.sync_copy(table_hbm.at[1], t1_v)

    def fill(g, c):
        x0 = t0_v[pl.ds(g * 16, 16)]
        x1 = t1_v[pl.ds(g * 16, 16)]
        for j in range(REP):
            rep0[j, pl.ds(g * 16, 16)] = x0
            rep1[j, pl.ds(g * 16, 16)] = x1
        return c

    lax.fori_loop(0, D // 16, fill, 0, unroll=2)
    idx_cp.wait()

    lane = lax.iota(jnp.int32, 16)

    def compact(i, carry):
        c0, c1 = carry
        pos = lane + (base + i * 16)
        idvi = idx_v[pl.ds(i * 16, 16)]
        m1 = idvi != 0
        m0 = jnp.logical_not(m1)
        p = jnp.minimum(idvi, 1)
        for k in (1, 2, 4, 8):
            mk = lax.shift_right_arithmetic(lane - k, 31)
            g = p.at[jnp.maximum(lane - k, 0)].get(mode="promise_in_bounds")
            p = p + (g & ~mk)
        dest1 = jnp.maximum(c1 + p - 1, 0)
        dest0 = jnp.maximum(c0 + lane - p, 0)
        plsc.store_scatter(l0_v, [dest0], pos, mask=m0)
        plsc.store_scatter(l1_v, [dest1], pos, mask=m1)
        cnt1 = p.at[jnp.full((16,), 15, jnp.int32)].get(
            mode="promise_in_bounds"
        )
        return c0 + (16 - cnt1), c1 + cnt1

    zero16 = jnp.zeros((16,), jnp.int32)
    c0f, c1f = lax.fori_loop(0, N_GRP16, compact, (zero16, zero16))
    n0 = c0f[0]
    n1 = c1f[0]

    def scatter_value(list_v, rep, nv):
        @pl.when(nv > 0)
        def _go():
            pad = (-nv) % REP

            @pl.when(pad > 0)
            def _pad():
                w16 = list_v[pl.ds(((nv - 1) // 16) * 16, 16)]
                lastv = w16.at[
                    jnp.broadcast_to((nv - 1) % 16, (16,)).astype(jnp.int32)
                ].get(mode="promise_in_bounds")
                plsc.store_scatter(
                    list_v, [nv + lane], lastv, mask=lane < pad
                )

            def win(w, c):
                pltpu.async_copy(
                    rep, out_hbm.at[list_v.at[pl.ds(w * REP, REP)]], sem
                )
                return c

            lax.fori_loop(0, (nv + REP - 1) // REP, win, 0)

        return jnp.where(nv > 0, (nv + REP - 1) // REP, 0)

    ns0 = scatter_value(l0_v, rep0, n0)
    ns1 = scatter_value(l1_v, rep1, n1)

    def drain(i, c):
        pltpu.make_async_copy(
            rep0, out_hbm.at[l0_v.at[pl.ds(0, REP)]], sem
        ).wait()
        return c

    lax.fori_loop(0, ns0 + ns1, drain, 0)


@jax.jit
def _lookup(ids_flat, table):
    mesh = plsc.VectorSubcoreMesh(core_axis_name="c", subcore_axis_name="s")
    run = pl.kernel(
        _sc_body,
        out_type=jax.ShapeDtypeStruct((N_TOK, D), jnp.float32),
        mesh=mesh,
        compiler_params=pltpu.CompilerParams(needs_layout_passes=False),
        scratch_types=[
            pltpu.VMEM((TOK_PER_W,), jnp.int32),
            pltpu.VMEM((TOK_PER_W + 16,), jnp.int32),
            pltpu.VMEM((TOK_PER_W + 16,), jnp.int32),
            pltpu.VMEM((D,), jnp.float32),
            pltpu.VMEM((D,), jnp.float32),
            pltpu.VMEM((REP, D), jnp.float32),
            pltpu.VMEM((REP, D), jnp.float32),
            pltpu.SemaphoreType.DMA,
        ],
    )
    return run(table, ids_flat)


def kernel(token_type_ids, table):
    ids_flat = token_type_ids.reshape(-1).astype(jnp.int32)
    out = _lookup(ids_flat, table)
    return out.reshape(token_type_ids.shape + (D,))

# --- scband reference (transcript-rebuilt; emitter-appended) ---
"""Pipeline reference for scband-segement-embedding-15015205667630 (READ-ONLY COPY).

The authoritative reference and input builder live on the scoring server;
editing this copy changes nothing except your own understanding.
"""

import jax, jax.numpy as jnp
import numpy as np


def setup_inputs(seed: int = 0) -> dict:
    key = jax.random.key(seed)
    k1, k2 = jax.random.split(key)
    token_type_ids = jax.random.randint(k1, (4, 8192), 0, 2, dtype=jnp.int64 if jax.config.jax_enable_x64 else jnp.int32)
    table = jax.random.normal(k2, (2, 1024), dtype=jnp.float32) * 0.02
    return {"token_type_ids": token_type_ids, "table": table}


def reference(token_type_ids, table):
    # Faithful translation of nn.Embedding(type_vocab_size, hidden_size)(token_type_ids)
    # gather rows of the embedding table: [B, L] -> [B, L, H]
    return jnp.take(table, token_type_ids, axis=0)

if __name__ == "__main__":
    import jax
    _d = setup_inputs()
    print(jax.jit(kernel)(*tuple(_d.values())))

</pallas_src>

<mosaic_0001>
#map = affine_map<(d0, d1) -> (0, 0)>
#map1 = affine_map<(d0, d1) -> (0)>
module attributes {stable_mosaic.version = 14 : i64} {
  func.func @_sc_body(%arg0: i32, %arg1: i32, %arg2: memref<2x1024xf32, #tpu.memory_space<hbm>>, %arg3: memref<32768xi32, #tpu.memory_space<hbm>>, %arg4: memref<32768x1024xf32, #tpu.memory_space<hbm>>, %arg5: memref<1024xi32, #tpu.memory_space<vmem>>, %arg6: memref<1040xi32, #tpu.memory_space<vmem>>, %arg7: memref<1040xi32, #tpu.memory_space<vmem>>, %arg8: memref<1024xf32, #tpu.memory_space<vmem>>, %arg9: memref<1024xf32, #tpu.memory_space<vmem>>, %arg10: memref<16x1024xf32, #tpu.memory_space<vmem>>, %arg11: memref<16x1024xf32, #tpu.memory_space<vmem>>, %arg12: memref<!tpu.dma_semaphore, #tpu.memory_space<semaphore_mem>>) attributes {dimension_semantics = [#tpu.dimension_semantics<core_parallel>, #tpu.dimension_semantics<subcore_parallel>], iteration_bounds = array<i64: 2, 16>, scalar_prefetch = 0 : i64, scratch_operands = 8 : i64, tpu.core_type = #tpu.core_type<sc_vector_subcore>, window_params = [{transform_indices = #map}, {transform_indices = #map1}, {transform_indices = #map}]} {
    %mul3A = arith.constant 2 : i32
    %mul3A_0 = arith.muli %arg1, %mul3A : i32
    %add3A = arith.addi %mul3A_0, %arg0 : i32
    %mul3A_1 = arith.constant 1024 : i32
    %mul3A_2 = arith.muli %add3A, %mul3A_1 : i32
    %dma_start3A = tpu.memref_slice %arg3[%mul3A_2] : memref<32768xi32, #tpu.memory_space<hbm>> -> memref<1024xi32, #tpu.memory_space<hbm>>
    %dma_start3A_3 = tpu.memref_slice %arg3[%mul3A_2] : memref<32768xi32, #tpu.memory_space<hbm>> -> memref<1024xi32, #tpu.memory_space<hbm>>
    tpu.enqueue_dma source(%dma_start3A_3 : memref<1024xi32, #tpu.memory_space<hbm>>) target(%arg5 : memref<1024xi32, #tpu.memory_space<vmem>>) target_semaphore(%arg12 : memref<!tpu.dma_semaphore, #tpu.memory_space<semaphore_mem>>)
    %run_scoped3A = arith.constant 0 : i32
    "tpu.region"() ({
      %run_scoped3A_93 = tpu.sem_alloc : memref<!tpu.dma_semaphore, #tpu.memory_space<semaphore_mem>>
      %dma_start3A_94 = arith.constant 0 : i32
      %dma_start3A_95 = tpu.memref_slice %arg2[%run_scoped3A, %dma_start3A_94] : memref<2x1024xf32, #tpu.memory_space<hbm>> -> memref<1x1024xf32, #tpu.memory_space<hbm>>
      %dma_start3A_96 = tpu.memref_squeeze %dma_start3A_95 : memref<1x1024xf32, #tpu.memory_space<hbm>> -> memref<1024xf32, #tpu.memory_space<hbm>>
      %dma_start3A_97 = arith.constant 0 : i32
      %dma_start3A_98 = tpu.memref_slice %arg2[%run_scoped3A, %dma_start3A_97] : memref<2x1024xf32, #tpu.memory_space<hbm>> -> memref<1x1024xf32, #tpu.memory_space<hbm>>
      %dma_start3A_99 = tpu.memref_squeeze %dma_start3A_98 : memref<1x1024xf32, #tpu.memory_space<hbm>> -> memref<1024xf32, #tpu.memory_space<hbm>>
      tpu.enqueue_dma source(%dma_start3A_99 : memref<1024xf32, #tpu.memory_space<hbm>>) target(%arg8 : memref<1024xf32, #tpu.memory_space<vmem>>) target_semaphore(%run_scoped3A_93 : memref<!tpu.dma_semaphore, #tpu.memory_space<semaphore_mem>>)
      %dma_wait3A_100 = arith.constant 0 : i32
      %dma_wait3A_101 = tpu.memref_slice %arg2[%run_scoped3A, %dma_wait3A_100] : memref<2x1024xf32, #tpu.memory_space<hbm>> -> memref<1x1024xf32, #tpu.memory_space<hbm>>
      %dma_wait3A_102 = tpu.memref_squeeze %dma_wait3A_101 : memref<1x1024xf32, #tpu.memory_space<hbm>> -> memref<1024xf32, #tpu.memory_space<hbm>>
      %dma_wait3A_103 = arith.constant 0 : i32
      %dma_wait3A_104 = tpu.memref_slice %arg2[%run_scoped3A, %dma_wait3A_103] : memref<2x1024xf32, #tpu.memory_space<hbm>> -> memref<1x1024xf32, #tpu.memory_space<hbm>>
      %dma_wait3A_105 = tpu.memref_squeeze %dma_wait3A_104 : memref<1x1024xf32, #tpu.memory_space<hbm>> -> memref<1024xf32, #tpu.memory_space<hbm>>
      tpu.wait_dma2 semaphore(%run_scoped3A_93 : memref<!tpu.dma_semaphore, #tpu.memory_space<semaphore_mem>>) src(%dma_wait3A_105 : memref<1024xf32, #tpu.memory_space<hbm>>) dst(%arg8 : memref<1024xf32, #tpu.memory_space<vmem>>)
      tpu.yield
    }) : () -> ()
    %run_scoped3A_4 = arith.constant 1 : i32
    "tpu.region"() ({
      %run_scoped3A_93 = tpu.sem_alloc : memref<!tpu.dma_semaphore, #tpu.memory_space<semaphore_mem>>
      %dma_start3A_94 = arith.constant 0 : i32
      %dma_start3A_95 = tpu.memref_slice %arg2[%run_scoped3A_4, %dma_start3A_94] : memref<2x1024xf32, #tpu.memory_space<hbm>> -> memref<1x1024xf32, #tpu.memory_space<hbm>>
      %dma_start3A_96 = tpu.memref_squeeze %dma_start3A_95 : memref<1x1024xf32, #tpu.memory_space<hbm>> -> memref<1024xf32, #tpu.memory_space<hbm>>
      %dma_start3A_97 = arith.constant 0 : i32
      %dma_start3A_98 = tpu.memref_slice %arg2[%run_scoped3A_4, %dma_start3A_97] : memref<2x1024xf32, #tpu.memory_space<hbm>> -> memref<1x1024xf32, #tpu.memory_space<hbm>>
      %dma_start3A_99 = tpu.memref_squeeze %dma_start3A_98 : memref<1x1024xf32, #tpu.memory_space<hbm>> -> memref<1024xf32, #tpu.memory_space<hbm>>
      tpu.enqueue_dma source(%dma_start3A_99 : memref<1024xf32, #tpu.memory_space<hbm>>) target(%arg9 : memref<1024xf32, #tpu.memory_space<vmem>>) target_semaphore(%run_scoped3A_93 : memref<!tpu.dma_semaphore, #tpu.memory_space<semaphore_mem>>)
      %dma_wait3A_100 = arith.constant 0 : i32
      %dma_wait3A_101 = tpu.memref_slice %arg2[%run_scoped3A_4, %dma_wait3A_100] : memref<2x1024xf32, #tpu.memory_space<hbm>> -> memref<1x1024xf32, #tpu.memory_space<hbm>>
      %dma_wait3A_102 = tpu.memref_squeeze %dma_wait3A_101 : memref<1x1024xf32, #tpu.memory_space<hbm>> -> memref<1024xf32, #tpu.memory_space<hbm>>
      %dma_wait3A_103 = arith.constant 0 : i32
      %dma_wait3A_104 = tpu.memref_slice %arg2[%run_scoped3A_4, %dma_wait3A_103] : memref<2x1024xf32, #tpu.memory_space<hbm>> -> memref<1x1024xf32, #tpu.memory_space<hbm>>
      %dma_wait3A_105 = tpu.memref_squeeze %dma_wait3A_104 : memref<1x1024xf32, #tpu.memory_space<hbm>> -> memref<1024xf32, #tpu.memory_space<hbm>>
      tpu.wait_dma2 semaphore(%run_scoped3A_93 : memref<!tpu.dma_semaphore, #tpu.memory_space<semaphore_mem>>) src(%dma_wait3A_105 : memref<1024xf32, #tpu.memory_space<hbm>>) dst(%arg9 : memref<1024xf32, #tpu.memory_space<vmem>>)
      tpu.yield
    }) : () -> ()
    %scan3A = arith.constant 0 : i32
    %scan3A_5 = arith.constant 0 : i32
    %scan3A_6 = arith.constant 64 : i32
    %scan3A_7 = arith.addi %scan3A_5, %scan3A_6 : i32
    %scan3A_8 = arith.constant 2 : i32
    scf.for %scan3A_93 = %scan3A_5 to %scan3A_7 step %scan3A_8  : i32 {
      %mul3A_94 = arith.constant 16 : i32
      %mul3A_95 = arith.muli %scan3A_93, %mul3A_94 : i32
      %get3A = arith.index_cast %mul3A_95 : i32 to index
      %get3A_96 = tpu.vector_load %arg8[%get3A] {strides = array<i32>} : memref<1024xf32, #tpu.memory_space<vmem>>, vector<16xf32>,
      %mul3A_97 = arith.constant 16 : i32
      %mul3A_98 = arith.muli %scan3A_93, %mul3A_97 : i32
      %get3A_99 = arith.index_cast %mul3A_98 : i32 to index
      %get3A_100 = tpu.vector_load %arg9[%get3A_99] {strides = array<i32>} : memref<1024xf32, #tpu.memory_space<vmem>>, vector<16xf32>,
      %mul3A_101 = arith.constant 16 : i32
      %mul3A_102 = arith.muli %scan3A_93, %mul3A_101 : i32
      %swap3A = arith.constant 0 : i32
      %swap3A_103 = arith.index_cast %swap3A : i32 to index
      %swap3A_104 = arith.index_cast %mul3A_102 : i32 to index
      %swap3A_105 = tpu.vector_load %arg10[%swap3A_103, %swap3A_104] {strides = array<i32>} : memref<16x1024xf32, #tpu.memory_space<vmem>>, vector<16xf32>,
      tpu.vector_store %arg10[%swap3A_103, %swap3A_104], %get3A_96 {strides = array<i32>} : memref<16x1024xf32, #tpu.memory_space<vmem>>, vector<16xf32>,
      %mul3A_106 = arith.constant 16 : i32
      %mul3A_107 = arith.muli %scan3A_93, %mul3A_106 : i32
      %swap3A_108 = arith.constant 0 : i32
      %swap3A_109 = arith.index_cast %swap3A_108 : i32 to index
      %swap3A_110 = arith.index_cast %mul3A_107 : i32 to index
      %swap3A_111 = tpu.vector_load %arg11[%swap3A_109, %swap3A_110] {strides = array<i32>} : memref<16x1024xf32, #tpu.memory_space<vmem>>, vector<16xf32>,
      tpu.vector_store %arg11[%swap3A_109, %swap3A_110], %get3A_100 {strides = array<i32>} : memref<16x1024xf32, #tpu.memory_space<vmem>>, vector<16xf32>,
      %mul3A_112 = arith.constant 16 : i32
      %mul3A_113 = arith.muli %scan3A_93, %mul3A_112 : i32
      %swap3A_114 = arith.constant 1 : i32
      %swap3A_115 = arith.index_cast %swap3A_114 : i32 to index
      %swap3A_116 = arith.index_cast %mul3A_113 : i32 to index
      %swap3A_117 = tpu.vector_load %arg10[%swap3A_115, %swap3A_116] {strides = array<i32>} : memref<16x1024xf32, #tpu.memory_space<vmem>>, vector<16xf32>,
      tpu.vector_store %arg10[%swap3A_115, %swap3A_116], %get3A_96 {strides = array<i32>} : memref<16x1024xf32, #tpu.memory_space<vmem>>, vector<16xf32>,
      %mul3A_118 = arith.constant 16 : i32
      %mul3A_119 = arith.muli %scan3A_93, %mul3A_118 : i32
      %swap3A_120 = arith.constant 1 : i32
      %swap3A_121 = arith.index_cast %swap3A_120 : i32 to index
      %swap3A_122 = arith.index_cast %mul3A_119 : i32 to index
      %swap3A_123 = tpu.vector_load %arg11[%swap3A_121, %swap3A_122] {strides = array<i32>} : memref<16x1024xf32, #tpu.memory_space<vmem>>, vector<16xf32>,
      tpu.vector_store %arg11[%swap3A_121, %swap3A_122], %get3A_100 {strides = array<i32>} : memref<16x1024xf32, #tpu.memory_space<vmem>>, vector<16xf32>,
      %mul3A_124 = arith.constant 16 : i32
      %mul3A_125 = arith.muli %scan3A_93, %mul3A_124 : i32
      %swap3A_126 = arith.constant 2 : i32
      %swap3A_127 = arith.index_cast %swap3A_126 : i32 to index
      %swap3A_128 = arith.index_cast %mul3A_125 : i32 to index
      %swap3A_129 = tpu.vector_load %arg10[%swap3A_127, %swap3A_128] {strides = array<i32>} : memref<16x1024xf32, #tpu.memory_space<vmem>>, vector<16xf32>,
      tpu.vector_store %arg10[%swap3A_127, %swap3A_128], %get3A_96 {strides = array<i32>} : memref<16x1024xf32, #tpu.memory_space<vmem>>, vector<16xf32>,
      %mul3A_130 = arith.constant 16 : i32
      %mul3A_131 = arith.muli %scan3A_93, %mul3A_130 : i32
      %swap3A_132 = arith.constant 2 : i32
      %swap3A_133 = arith.index_cast %swap3A_132 : i32 to index
      %swap3A_134 = arith.index_cast %mul3A_131 : i32 to index
      %swap3A_135 = tpu.vector_load %arg11[%swap3A_133, %swap3A_134] {strides = array<i32>} : memref<16x1024xf32, #tpu.memory_space<vmem>>, vector<16xf32>,
      tpu.vector_store %arg11[%swap3A_133, %swap3A_134], %get3A_100 {strides = array<i32>} : memref<16x1024xf32, #tpu.memory_space<vmem>>, vector<16xf32>,
      %mul3A_136 = arith.constant 16 : i32
      %mul3A_137 = arith.muli %scan3A_93, %mul3A_136 : i32
      %swap3A_138 = arith.constant 3 : i32
      %swap3A_139 = arith.index_cast %swap3A_138 : i32 to index
      %swap3A_140 = arith.index_cast %mul3A_137 : i32 to index
      %swap3A_141 = tpu.vector_load %arg10[%swap3A_139, %swap3A_140] {strides = array<i32>} : memref<16x1024xf32, #tpu.memory_space<vmem>>, vector<16xf32>,
      tpu.vector_store %arg10[%swap3A_139, %swap3A_140], %get3A_96 {strides = array<i32>} : memref<16x1024xf32, #tpu.memory_space<vmem>>, vector<16xf32>,
      %mul3A_142 = arith.constant 16 : i32
      %mul3A_143 = arith.muli %scan3A_93, %mul3A_142 : i32
      %swap3A_144 = arith.constant 3 : i32
      %swap3A_145 = arith.index_cast %swap3A_144 : i32 to index
      %swap3A_146 = arith.index_cast %mul3A_143 : i32 to index
      %swap3A_147 = tpu.vector_load %arg11[%swap3A_145, %swap3A_146] {strides = array<i32>} : memref<16x1024xf32, #tpu.memory_space<vmem>>, vector<16xf32>,
      tpu.vector_store %arg11[%swap3A_145, %swap3A_146], %get3A_100 {strides = array<i32>} : memref<16x1024xf32, #tpu.memory_space<vmem>>, vector<16xf32>,
      %mul3A_148 = arith.constant 16 : i32
      %mul3A_149 = arith.muli %scan3A_93, %mul3A_148 : i32
      %swap3A_150 = arith.constant 4 : i32
      %swap3A_151 = arith.index_cast %swap3A_150 : i32 to index
      %swap3A_152 = arith.index_cast %mul3A_149 : i32 to index
      %swap3A_153 = tpu.vector_load %arg10[%swap3A_151, %swap3A_152] {strides = array<i32>} : memref<16x1024xf32, #tpu.memory_space<vmem>>, vector<16xf32>,
      tpu.vector_store %arg10[%swap3A_151, %swap3A_152], %get3A_96 {strides = array<i32>} : memref<16x1024xf32, #tpu.memory_space<vmem>>, vector<16xf32>,
      %mul3A_154 = arith.constant 16 : i32
      %mul3A_155 = arith.muli %scan3A_93, %mul3A_154 : i32
      %swap3A_156 = arith.constant 4 : i32
      %swap3A_157 = arith.index_cast %swap3A_156 : i32 to index
      %swap3A_158 = arith.index_cast %mul3A_155 : i32 to index
      %swap3A_159 = tpu.vector_load %arg11[%swap3A_157, %swap3A_158] {strides = array<i32>} : memref<16x1024xf32, #tpu.memory_space<vmem>>, vector<16xf32>,
      tpu.vector_store %arg11[%swap3A_157, %swap3A_158], %get3A_100 {strides = array<i32>} : memref<16x1024xf32, #tpu.memory_space<vmem>>, vector<16xf32>,
      %mul3A_160 = arith.constant 16 : i32
      %mul3A_161 = arith.muli %scan3A_93, %mul3A_160 : i32
      %swap3A_162 = arith.constant 5 : i32
      %swap3A_163 = arith.index_cast %swap3A_162 : i32 to index
      %swap3A_164 = arith.index_cast %mul3A_161 : i32 to index
      %swap3A_165 = tpu.vector_load %arg10[%swap3A_163, %swap3A_164] {strides = array<i32>} : memref<16x1024xf32, #tpu.memory_space<vmem>>, vector<16xf32>,
      tpu.vector_store %arg10[%swap3A_163, %swap3A_164], %get3A_96 {strides = array<i32>} : memref<16x1024xf32, #tpu.memory_space<vmem>>, vector<16xf32>,
      %mul3A_166 = arith.constant 16 : i32
      %mul3A_167 = arith.muli %scan3A_93, %mul3A_166 : i32
      %swap3A_168 = arith.constant 5 : i32
      %swap3A_169 = arith.index_cast %swap3A_168 : i32 to index
      %swap3A_170 = arith.index_cast %mul3A_167 : i32 to index
      %swap3A_171 = tpu.vector_load %arg11[%swap3A_169, %swap3A_170] {strides = array<i32>} : memref<16x1024xf32, #tpu.memory_space<vmem>>, vector<16xf32>,
      tpu.vector_store %arg11[%swap3A_169, %swap3A_170], %get3A_100 {strides = array<i32>} : memref<16x1024xf32, #tpu.memory_space<vmem>>, vector<16xf32>,
      %mul3A_172 = arith.constant 16 : i32
      %mul3A_173 = arith.muli %scan3A_93, %mul3A_172 : i32
      %swap3A_174 = arith.constant 6 : i32
      %swap3A_175 = arith.index_cast %swap3A_174 : i32 to index
      %swap3A_176 = arith.index_cast %mul3A_173 : i32 to index
      %swap3A_177 = tpu.vector_load %arg10[%swap3A_175, %swap3A_176] {strides = array<i32>} : memref<16x1024xf32, #tpu.memory_space<vmem>>, vector<16xf32>,
      tpu.vector_store %arg10[%swap3A_175, %swap3A_176], %get3A_96 {strides = array<i32>} : memref<16x1024xf32, #tpu.memory_space<vmem>>, vector<16xf32>,
      %mul3A_178 = arith.constant 16 : i32
      %mul3A_179 = arith.muli %scan3A_93, %mul3A_178 : i32
      %swap3A_180 = arith.constant 6 : i32
      %swap3A_181 = arith.index_cast %swap3A_180 : i32 to index
      %swap3A_182 = arith.index_cast %mul3A_179 : i32 to index
      %swap3A_183 = tpu.vector_load %arg11[%swap3A_181, %swap3A_182] {strides = array<i32>} : memref<16x1024xf32, #tpu.memory_space<vmem>>, vector<16xf32>,
      tpu.vector_store %arg11[%swap3A_181, %swap3A_182], %get3A_100 {strides = array<i32>} : memref<16x1024xf32, #tpu.memory_space<vmem>>, vector<16xf32>,
      %mul3A_184 = arith.constant 16 : i32
      %mul3A_185 = arith.muli %scan3A_93, %mul3A_184 : i32
      %swap3A_186 = arith.constant 7 : i32
      %swap3A_187 = arith.index_cast %swap3A_186 : i32 to index
      %swap3A_188 = arith.index_cast %mul3A_185 : i32 to index
      %swap3A_189 = tpu.vector_load %arg10[%swap3A_187, %swap3A_188] {strides = array<i32>} : memref<16x1024xf32, #tpu.memory_space<vmem>>, vector<16xf32>,
      tpu.vector_store %arg10[%swap3A_187, %swap3A_188], %get3A_96 {strides = array<i32>} : memref<16x1024xf32, #tpu.memory_space<vmem>>, vector<16xf32>,
      %mul3A_190 = arith.constant 16 : i32
      %mul3A_191 = arith.muli %scan3A_93, %mul3A_190 : i32
      %swap3A_192 = arith.constant 7 : i32
      %swap3A_193 = arith.index_cast %swap3A_192 : i32 to index
      %swap3A_194 = arith.index_cast %mul3A_191 : i32 to index
      %swap3A_195 = tpu.vector_load %arg11[%swap3A_193, %swap3A_194] {strides = array<i32>} : memref<16x1024xf32, #tpu.memory_space<vmem>>, vector<16xf32>,
      tpu.vector_store %arg11[%swap3A_193, %swap3A_194], %get3A_100 {strides = array<i32>} : memref<16x1024xf32, #tpu.memory_space<vmem>>, vector<16xf32>,
      %mul3A_196 = arith.constant 16 : i32
      %mul3A_197 = arith.muli %scan3A_93, %mul3A_196 : i32
      %swap3A_198 = arith.constant 8 : i32
      %swap3A_199 = arith.index_cast %swap3A_198 : i32 to index
      %swap3A_200 = arith.index_cast %mul3A_197 : i32 to index
      %swap3A_201 = tpu.vector_load %arg10[%swap3A_199, %swap3A_200] {strides = array<i32>} : memref<16x1024xf32, #tpu.memory_space<vmem>>, vector<16xf32>,
      tpu.vector_store %arg10[%swap3A_199, %swap3A_200], %get3A_96 {strides = array<i32>} : memref<16x1024xf32, #tpu.memory_space<vmem>>, vector<16xf32>,
      %mul3A_202 = arith.constant 16 : i32
      %mul3A_203 = arith.muli %scan3A_93, %mul3A_202 : i32
      %swap3A_204 = arith.constant 8 : i32
      %swap3A_205 = arith.index_cast %swap3A_204 : i32 to index
      %swap3A_206 = arith.index_cast %mul3A_203 : i32 to index
      %swap3A_207 = tpu.vector_load %arg11[%swap3A_205, %swap3A_206] {strides = array<i32>} : memref<16x1024xf32, #tpu.memory_space<vmem>>, vector<16xf32>,
      tpu.vector_store %arg11[%swap3A_205, %swap3A_206], %get3A_100 {strides = array<i32>} : memref<16x1024xf32, #tpu.memory_space<vmem>>, vector<16xf32>,
      %mul3A_208 = arith.constant 16 : i32
      %mul3A_209 = arith.muli %scan3A_93, %mul3A_208 : i32
      %swap3A_210 = arith.constant 9 : i32
      %swap3A_211 = arith.index_cast %swap3A_210 : i32 to index
      %swap3A_212 = arith.index_cast %mul3A_209 : i32 to index
      %swap3A_213 = tpu.vector_load %arg10[%swap3A_211, %swap3A_212] {strides = array<i32>} : memref<16x1024xf32, #tpu.memory_space<vmem>>, vector<16xf32>,
      tpu.vector_store %arg10[%swap3A_211, %swap3A_212], %get3A_96 {strides = array<i32>} : memref<16x1024xf32, #tpu.memory_space<vmem>>, vector<16xf32>,
      %mul3A_214 = arith.constant 16 : i32
      %mul3A_215 = arith.muli %scan3A_93, %mul3A_214 : i32
      %swap3A_216 = arith.constant 9 : i32
      %swap3A_217 = arith.index_cast %swap3A_216 : i32 to index
      %swap3A_218 = arith.index_cast %mul3A_215 : i32 to index
      %swap3A_219 = tpu.vector_load %arg11[%swap3A_217, %swap3A_218] {strides = array<i32>} : memref<16x1024xf32, #tpu.memory_space<vmem>>, vector<16xf32>,
      tpu.vector_store %arg11[%swap3A_217, %swap3A_218], %get3A_100 {strides = array<i32>} : memref<16x1024xf32, #tpu.memory_space<vmem>>, vector<16xf32>,
      %mul3A_220 = arith.constant 16 : i32
      %mul3A_221 = arith.muli %scan3A_93, %mul3A_220 : i32
      %swap3A_222 = arith.constant 10 : i32
      %swap3A_223 = arith.index_cast %swap3A_222 : i32 to index
      %swap3A_224 = arith.index_cast %mul3A_221 : i32 to index
      %swap3A_225 = tpu.vector_load %arg10[%swap3A_223, %swap3A_224] {strides = array<i32>} : memref<16x1024xf32, #tpu.memory_space<vmem>>, vector<16xf32>,
      tpu.vector_store %arg10[%swap3A_223, %swap3A_224], %get3A_96 {strides = array<i32>} : memref<16x1024xf32, #tpu.memory_space<vmem>>, vector<16xf32>,
      %mul3A_226 = arith.constant 16 : i32
      %mul3A_227 = arith.muli %scan3A_93, %mul3A_226 : i32
      %swap3A_228 = arith.constant 10 : i32
      %swap3A_229 = arith.index_cast %swap3A_228 : i32 to index
      %swap3A_230 = arith.index_cast %mul3A_227 : i32 to index
      %swap3A_231 = tpu.vector_load %arg11[%swap3A_229, %swap3A_230] {strides = array<i32>} : memref<16x1024xf32, #tpu.memory_space<vmem>>, vector<16xf32>,
      tpu.vector_store %arg11[%swap3A_229, %swap3A_230], %get3A_100 {strides = array<i32>} : memref<16x1024xf32, #tpu.memory_space<vmem>>, vector<16xf32>,
      %mul3A_232 = arith.constant 16 : i32
      %mul3A_233 = arith.muli %scan3A_93, %mul3A_232 : i32
      %swap3A_234 = arith.constant 11 : i32
      %swap3A_235 = arith.index_cast %swap3A_234 : i32 to index
      %swap3A_236 = arith.index_cast %mul3A_233 : i32 to index
      %swap3A_237 = tpu.vector_load %arg10[%swap3A_235, %swap3A_236] {strides = array<i32>} : memref<16x1024xf32, #tpu.memory_space<vmem>>, vector<16xf32>,
      tpu.vector_store %arg10[%swap3A_235, %swap3A_236], %get3A_96 {strides = array<i32>} : memref<16x1024xf32, #tpu.memory_space<vmem>>, vector<16xf32>,
      %mul3A_238 = arith.constant 16 : i32
      %mul3A_239 = arith.muli %scan3A_93, %mul3A_238 : i32
      %swap3A_240 = arith.constant 11 : i32
      %swap3A_241 = arith.index_cast %swap3A_240 : i32 to index
      %swap3A_242 = arith.index_cast %mul3A_239 : i32 to index
      %swap3A_243 = tpu.vector_load %arg11[%swap3A_241, %swap3A_242] {strides = array<i32>} : memref<16x1024xf32, #tpu.memory_space<vmem>>, vector<16xf32>,
      tpu.vector_store %arg11[%swap3A_241, %swap3A_242], %get3A_100 {strides = array<i32>} : memref<16x1024xf32, #tpu.memory_space<vmem>>, vector<16xf32>,
      %mul3A_244 = arith.constant 16 : i32
      %mul3A_245 = arith.muli %scan3A_93, %mul3A_244 : i32
      %swap3A_246 = arith.constant 12 : i32
      %swap3A_247 = arith.index_cast %swap3A_246 : i32 to index
      %swap3A_248 = arith.index_cast %mul3A_245 : i32 to index
      %swap3A_249 = tpu.vector_load %arg10[%swap3A_247, %swap3A_248] {strides = array<i32>} : memref<16x1024xf32, #tpu.memory_space<vmem>>, vector<16xf32>,
      tpu.vector_store %arg10[%swap3A_247, %swap3A_248], %get3A_96 {strides = array<i32>} : memref<16x1024xf32, #tpu.memory_space<vmem>>, vector<16xf32>,
      %mul3A_250 = arith.constant 16 : i32
      %mul3A_251 = arith.muli %scan3A_93, %mul3A_250 : i32
      %swap3A_252 = arith.constant 12 : i32
      %swap3A_253 = arith.index_cast %swap3A_252 : i32 to index
      %swap3A_254 = arith.index_cast %mul3A_251 : i32 to index
      %swap3A_255 = tpu.vector_load %arg11[%swap3A_253, %swap3A_254] {strides = array<i32>} : memref<16x1024xf32, #tpu.memory_space<vmem>>, vector<16xf32>,
      tpu.vector_store %arg11[%swap3A_253, %swap3A_254], %get3A_100 {strides = array<i32>} : memref<16x1024xf32, #tpu.memory_space<vmem>>, vector<16xf32>,
      %mul3A_256 = arith.constant 16 : i32
      %mul3A_257 = arith.muli %scan3A_93, %mul3A_256 : i32
      %swap3A_258 = arith.constant 13 : i32
      %swap3A_259 = arith.index_cast %swap3A_258 : i32 to index
      %swap3A_260 = arith.index_cast %mul3A_257 : i32 to index
      %swap3A_261 = tpu.vector_load %arg10[%swap3A_259, %swap3A_260] {strides = array<i32>} : memref<16x1024xf32, #tpu.memory_space<vmem>>, vector<16xf32>,
      tpu.vector_store %arg10[%swap3A_259, %swap3A_260], %get3A_96 {strides = array<i32>} : memref<16x1024xf32, #tpu.memory_space<vmem>>, vector<16xf32>,
      %mul3A_262 = arith.constant 16 : i32
      %mul3A_263 = arith.muli %scan3A_93, %mul3A_262 : i32
      %swap3A_264 = arith.constant 13 : i32
      %swap3A_265 = arith.index_cast %swap3A_264 : i32 to index
      %swap3A_266 = arith.index_cast %mul3A_263 : i32 to index
      %swap3A_267 = tpu.vector_load %arg11[%swap3A_265, %swap3A_266] {strides = array<i32>} : memref<16x1024xf32, #tpu.memory_space<vmem>>, vector<16xf32>,
      tpu.vector_store %arg11[%swap3A_265, %swap3A_266], %get3A_100 {strides = array<i32>} : memref<16x1024xf32, #tpu.memory_space<vmem>>, vector<16xf32>,
      %mul3A_268 = arith.constant 16 : i32
      %mul3A_269 = arith.muli %scan3A_93, %mul3A_268 : i32
      %swap3A_270 = arith.constant 14 : i32
      %swap3A_271 = arith.index_cast %swap3A_270 : i32 to index
      %swap3A_272 = arith.index_cast %mul3A_269 : i32 to index
      %swap3A_273 = tpu.vector_load %arg10[%swap3A_271, %swap3A_272] {strides = array<i32>} : memref<16x1024xf32, #tpu.memory_space<vmem>>, vector<16xf32>,
      tpu.vector_store %arg10[%swap3A_271, %swap3A_272], %get3A_96 {strides = array<i32>} : memref<16x1024xf32, #tpu.memory_space<vmem>>, vector<16xf32>,
      %mul3A_274 = arith.constant 16 : i32
      %mul3A_275 = arith.muli %scan3A_93, %mul3A_274 : i32
      %swap3A_276 = arith.constant 14 : i32
      %swap3A_277 = arith.index_cast %swap3A_276 : i32 to index
      %swap3A_278 = arith.index_cast %mul3A_275 : i32 to index
      %swap3A_279 = tpu.vector_load %arg11[%swap3A_277, %swap3A_278] {strides = array<i32>} : memref<16x1024xf32, #tpu.memory_space<vmem>>, vector<16xf32>,
      tpu.vector_store %arg11[%swap3A_277, %swap3A_278], %get3A_100 {strides = array<i32>} : memref<16x1024xf32, #tpu.memory_space<vmem>>, vector<16xf32>,
      %mul3A_280 = arith.constant 16 : i32
      %mul3A_281 = arith.muli %scan3A_93, %mul3A_280 : i32
      %swap3A_282 = arith.constant 15 : i32
      %swap3A_283 = arith.index_cast %swap3A_282 : i32 to index
      %swap3A_284 = arith.index_cast %mul3A_281 : i32 to index
      %swap3A_285 = tpu.vector_load %arg10[%swap3A_283, %swap3A_284] {strides = array<i32>} : memref<16x1024xf32, #tpu.memory_space<vmem>>, vector<16xf32>,
      tpu.vector_store %arg10[%swap3A_283, %swap3A_284], %get3A_96 {strides = array<i32>} : memref<16x1024xf32, #tpu.memory_space<vmem>>, vector<16xf32>,
      %mul3A_286 = arith.constant 16 : i32
      %mul3A_287 = arith.muli %scan3A_93, %mul3A_286 : i32
      %swap3A_288 = arith.constant 15 : i32
      %swap3A_289 = arith.index_cast %swap3A_288 : i32 to index
      %swap3A_290 = arith.index_cast %mul3A_287 : i32 to index
      %swap3A_291 = tpu.vector_load %arg11[%swap3A_289, %swap3A_290] {strides = array<i32>} : memref<16x1024xf32, #tpu.memory_space<vmem>>, vector<16xf32>,
      tpu.vector_store %arg11[%swap3A_289, %swap3A_290], %get3A_100 {strides = array<i32>} : memref<16x1024xf32, #tpu.memory_space<vmem>>, vector<16xf32>,
      %scan3A_292 = arith.constant 1 : i32
      %scan3A_293 = arith.addi %scan3A_93, %scan3A_292 : i32
      %mul3A_294 = arith.constant 16 : i32
      %mul3A_295 = arith.muli %scan3A_293, %mul3A_294 : i32
      %get3A_296 = arith.index_cast %mul3A_295 : i32 to index
      %get3A_297 = tpu.vector_load %arg8[%get3A_296] {strides = array<i32>} : memref<1024xf32, #tpu.memory_space<vmem>>, vector<16xf32>,
      %mul3A_298 = arith.constant 16 : i32
      %mul3A_299 = arith.muli %scan3A_293, %mul3A_298 : i32
      %get3A_300 = arith.index_cast %mul3A_299 : i32 to index
      %get3A_301 = tpu.vector_load %arg9[%get3A_300] {strides = array<i32>} : memref<1024xf32, #tpu.memory_space<vmem>>, vector<16xf32>,
      %mul3A_302 = arith.constant 16 : i32
      %mul3A_303 = arith.muli %scan3A_293, %mul3A_302 : i32
      %swap3A_304 = arith.constant 0 : i32
      %swap3A_305 = arith.index_cast %swap3A_304 : i32 to index
      %swap3A_306 = arith.index_cast %mul3A_303 : i32 to index
      %swap3A_307 = tpu.vector_load %arg10[%swap3A_305, %swap3A_306] {strides = array<i32>} : memref<16x1024xf32, #tpu.memory_space<vmem>>, vector<16xf32>,
      tpu.vector_store %arg10[%swap3A_305, %swap3A_306], %get3A_297 {strides = array<i32>} : memref<16x1024xf32, #tpu.memory_space<vmem>>, vector<16xf32>,
      %mul3A_308 = arith.constant 16 : i32
      %mul3A_309 = arith.muli %scan3A_293, %mul3A_308 : i32
      %swap3A_310 = arith.constant 0 : i32
      %swap3A_311 = arith.index_cast %swap3A_310 : i32 to index
      %swap3A_312 = arith.index_cast %mul3A_309 : i32 to index
      %swap3A_313 = tpu.vector_load %arg11[%swap3A_311, %swap3A_312] {strides = array<i32>} : memref<16x1024xf32, #tpu.memory_space<vmem>>, vector<16xf32>,
      tpu.vector_store %arg11[%swap3A_311, %swap3A_312], %get3A_301 {strides = array<i32>} : memref<16x1024xf32, #tpu.memory_space<vmem>>, vector<16xf32>,
      %mul3A_314 = arith.constant 16 : i32
      %mul3A_315 = arith.muli %scan3A_293, %mul3A_314 : i32
      %swap3A_316 = arith.constant 1 : i32
      %swap3A_317 = arith.index_cast %swap3A_316 : i32 to index
      %swap3A_318 = arith.index_cast %mul3A_315 : i32 to index
      %swap3A_319 = tpu.vector_load %arg10[%swap3A_317, %swap3A_318] {strides = array<i32>} : memref<16x1024xf32, #tpu.memory_space<vmem>>, vector<16xf32>,
      tpu.vector_store %arg10[%swap3A_317, %swap3A_318], %get3A_297 {strides = array<i32>} : memref<16x1024xf32, #tpu.memory_space<vmem>>, vector<16xf32>,
      %mul3A_320 = arith.constant 16 : i32
      %mul3A_321 = arith.muli %scan3A_293, %mul3A_320 : i32
      %swap3A_322 = arith.constant 1 : i32
      %swap3A_323 = arith.index_cast %swap3A_322 : i32 to index
      %swap3A_324 = arith.index_cast %mul3A_321 : i32 to index
      %swap3A_325 = tpu.vector_load %arg11[%swap3A_323, %swap3A_324] {strides = array<i32>} : memref<16x1024xf32, #tpu.memory_space<vmem>>, vector<16xf32>,
      tpu.vector_store %arg11[%swap3A_323, %swap3A_324], %get3A_301 {strides = array<i32>} : memref<16x1024xf32, #tpu.memory_space<vmem>>, vector<16xf32>,
      %mul3A_326 = arith.constant 16 : i32
      %mul3A_327 = arith.muli %scan3A_293, %mul3A_326 : i32
      %swap3A_328 = arith.constant 2 : i32
      %swap3A_329 = arith.index_cast %swap3A_328 : i32 to index
      %swap3A_330 = arith.index_cast %mul3A_327 : i32 to index
      %swap3A_331 = tpu.vector_load %arg10[%swap3A_329, %swap3A_330] {strides = array<i32>} : memref<16x1024xf32, #tpu.memory_space<vmem>>, vector<16xf32>,
      tpu.vector_store %arg10[%swap3A_329, %swap3A_330], %get3A_297 {strides = array<i32>} : memref<16x1024xf32, #tpu.memory_space<vmem>>, vector<16xf32>,
      %mul3A_332 = arith.constant 16 : i32
      %mul3A_333 = arith.muli %scan3A_293, %mul3A_332 : i32
      %swap3A_334 = arith.constant 2 : i32
      %swap3A_335 = arith.index_cast %swap3A_334 : i32 to index
      %swap3A_336 = arith.index_cast %mul3A_333 : i32 to index
      %swap3A_337 = tpu.vector_load %arg11[%swap3A_335, %swap3A_336] {strides = array<i32>} : memref<16x1024xf32, #tpu.memory_space<vmem>>, vector<16xf32>,
      tpu.vector_store %arg11[%swap3A_335, %swap3A_336], %get3A_301 {strides = array<i32>} : memref<16x1024xf32, #tpu.memory_space<vmem>>, vector<16xf32>,
      %mul3A_338 = arith.constant 16 : i32
      %mul3A_339 = arith.muli %scan3A_293, %mul3A_338 : i32
      %swap3A_340 = arith.constant 3 : i32
      %swap3A_341 = arith.index_cast %swap3A_340 : i32 to index
      %swap3A_342 = arith.index_cast %mul3A_339 : i32 to index
      %swap3A_343 = tpu.vector_load %arg10[%swap3A_341, %swap3A_342] {strides = array<i32>} : memref<16x1024xf32, #tpu.memory_space<vmem>>, vector<16xf32>,
      tpu.vector_store %arg10[%swap3A_341, %swap3A_342], %get3A_297 {strides = array<i32>} : memref<16x1024xf32, #tpu.memory_space<vmem>>, vector<16xf32>,
      %mul3A_344 = arith.constant 16 : i32
      %mul3A_345 = arith.muli %scan3A_293, %mul3A_344 : i32
      %swap3A_346 = arith.constant 3 : i32
      %swap3A_347 = arith.index_cast %swap3A_346 : i32 to index
      %swap3A_348 = arith.index_cast %mul3A_345 : i32 to index
      %swap3A_349 = tpu.vector_load %arg11[%swap3A_347, %swap3A_348] {strides = array<i32>} : memref<16x1024xf32, #tpu.memory_space<vmem>>, vector<16xf32>,
      tpu.vector_store %arg11[%swap3A_347, %swap3A_348], %get3A_301 {strides = array<i32>} : memref<16x1024xf32, #tpu.memory_space<vmem>>, vector<16xf32>,
      %mul3A_350 = arith.constant 16 : i32
      %mul3A_351 = arith.muli %scan3A_293, %mul3A_350 : i32
      %swap3A_352 = arith.constant 4 : i32
      %swap3A_353 = arith.index_cast %swap3A_352 : i32 to index
      %swap3A_354 = arith.index_cast %mul3A_351 : i32 to index
      %swap3A_355 = tpu.vector_load %arg10[%swap3A_353, %swap3A_354] {strides = array<i32>} : memref<16x1024xf32, #tpu.memory_space<vmem>>, vector<16xf32>,
      tpu.vector_store %arg10[%swap3A_353, %swap3A_354], %get3A_297 {strides = array<i32>} : memref<16x1024xf32, #tpu.memory_space<vmem>>, vector<16xf32>,
      %mul3A_356 = arith.constant 16 : i32
      %mul3A_357 = arith.muli %scan3A_293, %mul3A_356 : i32
      %swap3A_358 = arith.constant 4 : i32
      %swap3A_359 = arith.index_cast %swap3A_358 : i32 to index
      %swap3A_360 = arith.index_cast %mul3A_357 : i32 to index
      %swap3A_361 = tpu.vector_load %arg11[%swap3A_359, %swap3A_360] {strides = array<i32>} : memref<16x1024xf32, #tpu.memory_space<vmem>>, vector<16xf32>,
      tpu.vector_store %arg11[%swap3A_359, %swap3A_360], %get3A_301 {strides = array<i32>} : memref<16x1024xf32, #tpu.memory_space<vmem>>, vector<16xf32>,
      %mul3A_362 = arith.constant 16 : i32
      %mul3A_363 = arith.muli %scan3A_293, %mul3A_362 : i32
      %swap3A_364 = arith.constant 5 : i32
      %swap3A_365 = arith.index_cast %swap3A_364 : i32 to index
      %swap3A_366 = arith.index_cast %mul3A_363 : i32 to index
      %swap3A_367 = tpu.vector_load %arg10[%swap3A_365, %swap3A_366] {strides = array<i32>} : memref<16x1024xf32, #tpu.memory_space<vmem>>, vector<16xf32>,
      tpu.vector_store %arg10[%swap3A_365, %swap3A_366], %get3A_297 {strides = array<i32>} : memref<16x1024xf32, #tpu.memory_space<vmem>>, vector<16xf32>,
      %mul3A_368 = arith.constant 16 : i32
      %mul3A_369 = arith.muli %scan3A_293, %mul3A_368 : i32
      %swap3A_370 = arith.constant 5 : i32
      %swap3A_371 = arith.index_cast %swap3A_370 : i32 to index
      %swap3A_372 = arith.index_cast %mul3A_369 : i32 to index
      %swap3A_373 = tpu.vector_load %arg11[%swap3A_371, %swap3A_372] {strides = array<i32>} : memref<16x1024xf32, #tpu.memory_space<vmem>>, vector<16xf32>,
      tpu.vector_store %arg11[%swap3A_371, %swap3A_372], %get3A_301 {strides = array<i32>} : memref<16x1024xf32, #tpu.memory_space<vmem>>, vector<16xf32>,
      %mul3A_374 = arith.constant 16 : i32
      %mul3A_375 = arith.muli %scan3A_293, %mul3A_374 : i32
      %swap3A_376 = arith.constant 6 : i32
      %swap3A_377 = arith.index_cast %swap3A_376 : i32 to index
      %swap3A_378 = arith.index_cast %mul3A_375 : i32 to index
      %swap3A_379 = tpu.vector_load %arg10[%swap3A_377, %swap3A_378] {strides = array<i32>} : memref<16x1024xf32, #tpu.memory_space<vmem>>, vector<16xf32>,
      tpu.vector_store %arg10[%swap3A_377, %swap3A_378], %get3A_297 {strides = array<i32>} : memref<16x1024xf32, #tpu.memory_space<vmem>>, vector<16xf32>,
      %mul3A_380 = arith.constant 16 : i32
      %mul3A_381 = arith.muli %scan3A_293, %mul3A_380 : i32
      %swap3A_382 = arith.constant 6 : i32
      %swap3A_383 = arith.index_cast %swap3A_382 : i32 to index
      %swap3A_384 = arith.index_cast %mul3A_381 : i32 to index
      %swap3A_385 = tpu.vector_load %arg11[%swap3A_383, %swap3A_384] {strides = array<i32>} : memref<16x1024xf32, #tpu.memory_space<vmem>>, vector<16xf32>,
      tpu.vector_store %arg11[%swap3A_383, %swap3A_384], %get3A_301 {strides = array<i32>} : memref<16x1024xf32, #tpu.memory_space<vmem>>, vector<16xf32>,
      %mul3A_386 = arith.constant 16 : i32
      %mul3A_387 = arith.muli %scan3A_293, %mul3A_386 : i32
      %swap3A_388 = arith.constant 7 : i32
      %swap3A_389 = arith.index_cast %swap3A_388 : i32 to index
      %swap3A_390 = arith.index_cast %mul3A_387 : i32 to index
      %swap3A_391 = tpu.vector_load %arg10[%swap3A_389, %swap3A_390] {strides = array<i32>} : memref<16x1024xf32, #tpu.memory_space<vmem>>, vector<16xf32>,
      tpu.vector_store %arg10[%swap3A_389, %swap3A_390], %get3A_297 {strides = array<i32>} : memref<16x1024xf32, #tpu.memory_space<vmem>>, vector<16xf32>,
      %mul3A_392 = arith.constant 16 : i32
      %mul3A_393 = arith.muli %scan3A_293, %mul3A_392 : i32
      %swap3A_394 = arith.constant 7 : i32
      %swap3A_395 = arith.index_cast %swap3A_394 : i32 to index
      %swap3A_396 = arith.index_cast %mul3A_393 : i32 to index
      %swap3A_397 = tpu.vector_load %arg11[%swap3A_395, %swap3A_396] {strides = array<i32>} : memref<16x1024xf32, #tpu.memory_space<vmem>>, vector<16xf32>,
      tpu.vector_store %arg11[%swap3A_395, %swap3A_396], %get3A_301 {strides = array<i32>} : memref<16x1024xf32, #tpu.memory_space<vmem>>, vector<16xf32>,
      %mul3A_398 = arith.constant 16 : i32
      %mul3A_399 = arith.muli %scan3A_293, %mul3A_398 : i32
      %swap3A_400 = arith.constant 8 : i32
      %swap3A_401 = arith.index_cast %swap3A_400 : i32 to index
      %swap3A_402 = arith.index_cast %mul3A_399 : i32 to index
      %swap3A_403 = tpu.vector_load %arg10[%swap3A_401, %swap3A_402] {strides = array<i32>} : memref<16x1024xf32, #tpu.memory_space<vmem>>, vector<16xf32>,
      tpu.vector_store %arg10[%swap3A_401, %swap3A_402], %get3A_297 {strides = array<i32>} : memref<16x1024xf32, #tpu.memory_space<vmem>>, vector<16xf32>,
      %mul3A_404 = arith.constant 16 : i32
      %mul3A_405 = arith.muli %scan3A_293, %mul3A_404 : i32
      %swap3A_406 = arith.constant 8 : i32
      %swap3A_407 = arith.index_cast %swap3A_406 : i32 to index
      %swap3A_408 = arith.index_cast %mul3A_405 : i32 to index
      %swap3A_409 = tpu.vector_load %arg11[%swap3A_407, %swap3A_408] {strides = array<i32>} : memref<16x1024xf32, #tpu.memory_space<vmem>>, vector<16xf32>,
      tpu.vector_store %arg11[%swap3A_407, %swap3A_408], %get3A_301 {strides = array<i32>} : memref<16x1024xf32, #tpu.memory_space<vmem>>, vector<16xf32>,
      %mul3A_410 = arith.constant 16 : i32
      %mul3A_411 = arith.muli %scan3A_293, %mul3A_410 : i32
      %swap3A_412 = arith.constant 9 : i32
      %swap3A_413 = arith.index_cast %swap3A_412 : i32 to index
      %swap3A_414 = arith.index_cast %mul3A_411 : i32 to index
      %swap3A_415 = tpu.vector_load %arg10[%swap3A_413, %swap3A_414] {strides = array<i32>} : memref<16x1024xf32, #tpu.memory_space<vmem>>, vector<16xf32>,
      tpu.vector_store %arg10[%swap3A_413, %swap3A_414], %get3A_297 {strides = array<i32>} : memref<16x1024xf32, #tpu.memory_space<vmem>>, vector<16xf32>,
      %mul3A_416 = arith.constant 16 : i32
      %mul3A_417 = arith.muli %scan3A_293, %mul3A_416 : i32
      %swap3A_418 = arith.constant 9 : i32
      %swap3A_419 = arith.index_cast %swap3A_418 : i32 to index
      %swap3A_420 = arith.index_cast %mul3A_417 : i32 to index
      %swap3A_421 = tpu.vector_load %arg11[%swap3A_419, %swap3A_420] {strides = array<i32>} : memref<16x1024xf32, #tpu.memory_space<vmem>>, vector<16xf32>,
      tpu.vector_store %arg11[%swap3A_419, %swap3A_420], %get3A_301 {strides = array<i32>} : memref<16x1024xf32, #tpu.memory_space<vmem>>, vector<16xf32>,
      %mul3A_422 = arith.constant 16 : i32
      %mul3A_423 = arith.muli %scan3A_293, %mul3A_422 : i32
      %swap3A_424 = arith.constant 10 : i32
      %swap3A_425 = arith.index_cast %swap3A_424 : i32 to index
      %swap3A_426 = arith.index_cast %mul3A_423 : i32 to index
      %swap3A_427 = tpu.vector_load %arg10[%swap3A_425, %swap3A_426] {strides = array<i32>} : memref<16x1024xf32, #tpu.memory_space<vmem>>, vector<16xf32>,
      tpu.vector_store %arg10[%swap3A_425, %swap3A_426], %get3A_297 {strides = array<i32>} : memref<16x1024xf32, #tpu.memory_space<vmem>>, vector<16xf32>,
      %mul3A_428 = arith.constant 16 : i32
      %mul3A_429 = arith.muli %scan3A_293, %mul3A_428 : i32
      %swap3A_430 = arith.constant 10 : i32
      %swap3A_431 = arith.index_cast %swap3A_430 : i32 to index
      %swap3A_432 = arith.index_cast %mul3A_429 : i32 to index
      %swap3A_433 = tpu.vector_load %arg11[%swap3A_431, %swap3A_432] {strides = array<i32>} : memref<16x1024xf32, #tpu.memory_space<vmem>>, vector<16xf32>,
      tpu.vector_store %arg11[%swap3A_431, %swap3A_432], %get3A_301 {strides = array<i32>} : memref<16x1024xf32, #tpu.memory_space<vmem>>, vector<16xf32>,
      %mul3A_434 = arith.constant 16 : i32
      %mul3A_435 = arith.muli %scan3A_293, %mul3A_434 : i32
      %swap3A_436 = arith.constant 11 : i32
      %swap3A_437 = arith.index_cast %swap3A_436 : i32 to index
      %swap3A_438 = arith.index_cast %mul3A_435 : i32 to index
      %swap3A_439 = tpu.vector_load %arg10[%swap3A_437, %swap3A_438] {strides = array<i32>} : memref<16x1024xf32, #tpu.memory_space<vmem>>, vector<16xf32>,
      tpu.vector_store %arg10[%swap3A_437, %swap3A_438], %get3A_297 {strides = array<i32>} : memref<16x1024xf32, #tpu.memory_space<vmem>>, vector<16xf32>,
      %mul3A_440 = arith.constant 16 : i32
      %mul3A_441 = arith.muli %scan3A_293, %mul3A_440 : i32
      %swap3A_442 = arith.constant 11 : i32
      %swap3A_443 = arith.index_cast %swap3A_442 : i32 to index
      %swap3A_444 = arith.index_cast %mul3A_441 : i32 to index
      %swap3A_445 = tpu.vector_load %arg11[%swap3A_443, %swap3A_444] {strides = array<i32>} : memref<16x1024xf32, #tpu.memory_space<vmem>>, vector<16xf32>,
      tpu.vector_store %arg11[%swap3A_443, %swap3A_444], %get3A_301 {strides = array<i32>} : memref<16x1024xf32, #tpu.memory_space<vmem>>, vector<16xf32>,
      %mul3A_446 = arith.constant 16 : i32
      %mul3A_447 = arith.muli %scan3A_293, %mul3A_446 : i32
      %swap3A_448 = arith.constant 12 : i32
      %swap3A_449 = arith.index_cast %swap3A_448 : i32 to index
      %swap3A_450 = arith.index_cast %mul3A_447 : i32 to index
      %swap3A_451 = tpu.vector_load %arg10[%swap3A_449, %swap3A_450] {strides = array<i32>} : memref<16x1024xf32, #tpu.memory_space<vmem>>, vector<16xf32>,
      tpu.vector_store %arg10[%swap3A_449, %swap3A_450], %get3A_297 {strides = array<i32>} : memref<16x1024xf32, #tpu.memory_space<vmem>>, vector<16xf32>,
      %mul3A_452 = arith.constant 16 : i32
      %mul3A_453 = arith.muli %scan3A_293, %mul3A_452 : i32
      %swap3A_454 = arith.constant 12 : i32
      %swap3A_455 = arith.index_cast %swap3A_454 : i32 to index
      %swap3A_456 = arith.index_cast %mul3A_453 : i32 to index
      %swap3A_457 = tpu.vector_load %arg11[%swap3A_455, %swap3A_456] {strides = array<i32>} : memref<16x1024xf32, #tpu.memory_space<vmem>>, vector<16xf32>,
      tpu.vector_store %arg11[%swap3A_455, %swap3A_456], %get3A_301 {strides = array<i32>} : memref<16x1024xf32, #tpu.memory_space<vmem>>, vector<16xf32>,
      %mul3A_458 = arith.constant 16 : i32
      %mul3A_459 = arith.muli %scan3A_293, %mul3A_458 : i32
      %swap3A_460 = arith.constant 13 : i32
      %swap3A_461 = arith.index_cast %swap3A_460 : i32 to index
      %swap3A_462 = arith.index_cast %mul3A_459 : i32 to index
      %swap3A_463 = tpu.vector_load %arg10[%swap3A_461, %swap3A_462] {strides = array<i32>} : memref<16x1024xf32, #tpu.memory_space<vmem>>, vector<16xf32>,
      tpu.vector_store %arg10[%swap3A_461, %swap3A_462], %get3A_297 {strides = array<i32>} : memref<16x1024xf32, #tpu.memory_space<vmem>>, vector<16xf32>,
      %mul3A_464 = arith.constant 16 : i32
      %mul3A_465 = arith.muli %scan3A_293, %mul3A_464 : i32
      %swap3A_466 = arith.constant 13 : i32
      %swap3A_467 = arith.index_cast %swap3A_466 : i32 to index
      %swap3A_468 = arith.index_cast %mul3A_465 : i32 to index
      %swap3A_469 = tpu.vector_load %arg11[%swap3A_467, %swap3A_468] {strides = array<i32>} : memref<16x1024xf32, #tpu.memory_space<vmem>>, vector<16xf32>,
      tpu.vector_store %arg11[%swap3A_467, %swap3A_468], %get3A_301 {strides = array<i32>} : memref<16x1024xf32, #tpu.memory_space<vmem>>, vector<16xf32>,
      %mul3A_470 = arith.constant 16 : i32
      %mul3A_471 = arith.muli %scan3A_293, %mul3A_470 : i32
      %swap3A_472 = arith.constant 14 : i32
      %swap3A_473 = arith.index_cast %swap3A_472 : i32 to index
      %swap3A_474 = arith.index_cast %mul3A_471 : i32 to index
      %swap3A_475 = tpu.vector_load %arg10[%swap3A_473, %swap3A_474] {strides = array<i32>} : memref<16x1024xf32, #tpu.memory_space<vmem>>, vector<16xf32>,
      tpu.vector_store %arg10[%swap3A_473, %swap3A_474], %get3A_297 {strides = array<i32>} : memref<16x1024xf32, #tpu.memory_space<vmem>>, vector<16xf32>,
      %mul3A_476 = arith.constant 16 : i32
      %mul3A_477 = arith.muli %scan3A_293, %mul3A_476 : i32
      %swap3A_478 = arith.constant 14 : i32
      %swap3A_479 = arith.index_cast %swap3A_478 : i32 to index
      %swap3A_480 = arith.index_cast %mul3A_477 : i32 to index
      %swap3A_481 = tpu.vector_load %arg11[%swap3A_479, %swap3A_480] {strides = array<i32>} : memref<16x1024xf32, #tpu.memory_space<vmem>>, vector<16xf32>,
      tpu.vector_store %arg11[%swap3A_479, %swap3A_480], %get3A_301 {strides = array<i32>} : memref<16x1024xf32, #tpu.memory_space<vmem>>, vector<16xf32>,
      %mul3A_482 = arith.constant 16 : i32
      %mul3A_483 = arith.muli %scan3A_293, %mul3A_482 : i32
      %swap3A_484 = arith.constant 15 : i32
      %swap3A_485 = arith.index_cast %swap3A_484 : i32 to index
      %swap3A_486 = arith.index_cast %mul3A_483 : i32 to index
      %swap3A_487 = tpu.vector_load %arg10[%swap3A_485, %swap3A_486] {strides = array<i32>} : memref<16x1024xf32, #tpu.memory_space<vmem>>, vector<16xf32>,
      tpu.vector_store %arg10[%swap3A_485, %swap3A_486], %get3A_297 {strides = array<i32>} : memref<16x1024xf32, #tpu.memory_space<vmem>>, vector<16xf32>,
      %mul3A_488 = arith.constant 16 : i32
      %mul3A_489 = arith.muli %scan3A_293, %mul3A_488 : i32
      %swap3A_490 = arith.constant 15 : i32
      %swap3A_491 = arith.index_cast %swap3A_490 : i32 to index
      %swap3A_492 = arith.index_cast %mul3A_489 : i32 to index
      %swap3A_493 = tpu.vector_load %arg11[%swap3A_491, %swap3A_492] {strides = array<i32>} : memref<16x1024xf32, #tpu.memory_space<vmem>>, vector<16xf32>,
      tpu.vector_store %arg11[%swap3A_491, %swap3A_492], %get3A_301 {strides = array<i32>} : memref<16x1024xf32, #tpu.memory_space<vmem>>, vector<16xf32>,
    }
    %scan3A_9 = arith.constant 64 : i32
    %dma_wait3A = tpu.memref_slice %arg3[%mul3A_2] : memref<32768xi32, #tpu.memory_space<hbm>> -> memref<1024xi32, #tpu.memory_space<hbm>>
    %dma_wait3A_10 = tpu.memref_slice %arg3[%mul3A_2] : memref<32768xi32, #tpu.memory_space<hbm>> -> memref<1024xi32, #tpu.memory_space<hbm>>
    tpu.wait_dma2 semaphore(%arg12 : memref<!tpu.dma_semaphore, #tpu.memory_space<semaphore_mem>>) src(%dma_wait3A_10 : memref<1024xi32, #tpu.memory_space<hbm>>) dst(%arg5 : memref<1024xi32, #tpu.memory_space<vmem>>)
    %iota3A = tpu.iota {dimensions = array<i32: 0>} : vector<16xi32>
    %broadcast_in_dim3A = arith.constant 0 : i32
    %broadcast_in_dim3A_11 = vector.broadcast %broadcast_in_dim3A : i32 to vector<16xi32>
    %scan3A_12 = arith.constant 0 : i32
    %scan3A_13 = arith.constant 64 : i32
    %scan3A_14 = arith.addi %scan3A_12, %scan3A_13 : i32
    %scan3A_15 = arith.constant 1 : i32
    %scan3A_16:2 = scf.for %scan3A_93 = %scan3A_12 to %scan3A_14 step %scan3A_15 iter_args(%scan3A_94 = %broadcast_in_dim3A_11, %scan3A_95 = %broadcast_in_dim3A_11) -> (vector<16xi32>, vector<16xi32>)  : i32 {
      %mul3A_96 = arith.constant 16 : i32
      %mul3A_97 = arith.muli %scan3A_93, %mul3A_96 : i32
      %add3A_98 = arith.addi %mul3A_2, %mul3A_97 : i32
      %add3A_99 = vector.broadcast %add3A_98 : i32 to vector<16xi32>
      %add3A_100 = arith.addi %iota3A, %add3A_99 : vector<16xi32>
      %mul3A_101 = arith.constant 16 : i32
      %mul3A_102 = arith.muli %scan3A_93, %mul3A_101 : i32
      %get3A = arith.index_cast %mul3A_102 : i32 to index
      %get3A_103 = tpu.vector_load %arg5[%get3A] {strides = array<i32>} : memref<1024xi32, #tpu.memory_space<vmem>>, vector<16xi32>,
      %ne3A_104 = arith.constant 0 : i32
      %ne3A_105 = vector.broadcast %ne3A_104 : i32 to vector<16xi32>
      %ne3A_106 = arith.cmpi ne, %get3A_103, %ne3A_105 : vector<16xi32>
      %not3A = arith.constant dense<true> : vector<16xi1>
      %not3A_107 = arith.xori %ne3A_106, %not3A : vector<16xi1>
      %min3A = arith.constant 1 : i32
      %min3A_108 = vector.broadcast %min3A : i32 to vector<16xi32>
      %min3A_109 = arith.minsi %get3A_103, %min3A_108 : vector<16xi32>
      %sub3A_110 = arith.constant 1 : i32
      %sub3A_111 = vector.broadcast %sub3A_110 : i32 to vector<16xi32>
      %sub3A_112 = arith.subi %iota3A, %sub3A_111 : vector<16xi32>
      %shift_right_arithmetic3A = arith.constant 31 : i32
      %shift_right_arithmetic3A_113 = vector.broadcast %shift_right_arithmetic3A : i32 to vector<16xi32>
      %shift_right_arithmetic3A_114 = arith.shrsi %sub3A_112, %shift_right_arithmetic3A_113 : vector<16xi32>
      %sub3A_115 = arith.constant 1 : i32
      %sub3A_116 = vector.broadcast %sub3A_115 : i32 to vector<16xi32>
      %sub3A_117 = arith.subi %iota3A, %sub3A_116 : vector<16xi32>
      %max3A = arith.constant 0 : i32
      %max3A_118 = vector.broadcast %max3A : i32 to vector<16xi32>
      %max3A_119 = arith.maxsi %sub3A_117, %max3A_118 : vector<16xi32>
      %lt3A = arith.constant 0 : i32
      %lt3A_120 = vector.broadcast %lt3A : i32 to vector<16xi32>
      %lt3A_121 = arith.cmpi slt, %max3A_119, %lt3A_120 : vector<16xi32>
      %add3A_122 = arith.constant 16 : i32
      %add3A_123 = vector.broadcast %add3A_122 : i32 to vector<16xi32>
      %add3A_124 = arith.addi %max3A_119, %add3A_123 : vector<16xi32>
      %select_n3A_125 = arith.select %lt3A_121, %add3A_124, %max3A_119 : vector<16xi1>, vector<16xi32>
      %broadcast_in_dim3A_126 = vector.shape_cast %select_n3A_125 : vector<16xi32> to vector<16x1xi32>
      %gather3A = vector.shape_cast %broadcast_in_dim3A_126 : vector<16x1xi32> to vector<16xi32>
      %gather3A_127 = tpu.dynamic_gather %min3A_109[%gather3A] in [0] : vector<16xi32>, vector<16xi32> -> vector<16xi32>
      %not3A_128 = arith.constant dense<-1> : vector<16xi32>
      %not3A_129 = arith.xori %shift_right_arithmetic3A_114, %not3A_128 : vector<16xi32>
      %and3A_130 = arith.andi %gather3A_127, %not3A_129 : vector<16xi32>
      %add3A_131 = arith.addi %min3A_109, %and3A_130 : vector<16xi32>
      %sub3A_132 = arith.constant 2 : i32
      %sub3A_133 = vector.broadcast %sub3A_132 : i32 to vector<16xi32>
      %sub3A_134 = arith.subi %iota3A, %sub3A_133 : vector<16xi32>
      %shift_right_arithmetic3A_135 = arith.constant 31 : i32
      %shift_right_arithmetic3A_136 = vector.broadcast %shift_right_arithmetic3A_135 : i32 to vector<16xi32>
      %shift_right_arithmetic3A_137 = arith.shrsi %sub3A_134, %shift_right_arithmetic3A_136 : vector<16xi32>
      %sub3A_138 = arith.constant 2 : i32
      %sub3A_139 = vector.broadcast %sub3A_138 : i32 to vector<16xi32>
      %sub3A_140 = arith.subi %iota3A, %sub3A_139 : vector<16xi32>
      %max3A_141 = arith.constant 0 : i32
      %max3A_142 = vector.broadcast %max3A_141 : i32 to vector<16xi32>
      %max3A_143 = arith.maxsi %sub3A_140, %max3A_142 : vector<16xi32>
      %lt3A_144 = arith.constant 0 : i32
      %lt3A_145 = vector.broadcast %lt3A_144 : i32 to vector<16xi32>
      %lt3A_146 = arith.cmpi slt, %max3A_143, %lt3A_145 : vector<16xi32>
      %add3A_147 = arith.constant 16 : i32
      %add3A_148 = vector.broadcast %add3A_147 : i32 to vector<16xi32>
      %add3A_149 = arith.addi %max3A_143, %add3A_148 : vector<16xi32>
      %select_n3A_150 = arith.select %lt3A_146, %add3A_149, %max3A_143 : vector<16xi1>, vector<16xi32>
      %broadcast_in_dim3A_151 = vector.shape_cast %select_n3A_150 : vector<16xi32> to vector<16x1xi32>
      %gather3A_152 = vector.shape_cast %broadcast_in_dim3A_151 : vector<16x1xi32> to vector<16xi32>
      %gather3A_153 = tpu.dynamic_gather %add3A_131[%gather3A_152] in [0] : vector<16xi32>, vector<16xi32> -> vector<16xi32>
      %not3A_154 = arith.constant dense<-1> : vector<16xi32>
      %not3A_155 = arith.xori %shift_right_arithmetic3A_137, %not3A_154 : vector<16xi32>
      %and3A_156 = arith.andi %gather3A_153, %not3A_155 : vector<16xi32>
      %add3A_157 = arith.addi %add3A_131, %and3A_156 : vector<16xi32>
      %sub3A_158 = arith.constant 4 : i32
      %sub3A_159 = vector.broadcast %sub3A_158 : i32 to vector<16xi32>
      %sub3A_160 = arith.subi %iota3A, %sub3A_159 : vector<16xi32>
      %shift_right_arithmetic3A_161 = arith.constant 31 : i32
      %shift_right_arithmetic3A_162 = vector.broadcast %shift_right_arithmetic3A_161 : i32 to vector<16xi32>
      %shift_right_arithmetic3A_163 = arith.shrsi %sub3A_160, %shift_right_arithmetic3A_162 : vector<16xi32>
      %sub3A_164 = arith.constant 4 : i32
      %sub3A_165 = vector.broadcast %sub3A_164 : i32 to vector<16xi32>
      %sub3A_166 = arith.subi %iota3A, %sub3A_165 : vector<16xi32>
      %max3A_167 = arith.constant 0 : i32
      %max3A_168 = vector.broadcast %max3A_167 : i32 to vector<16xi32>
      %max3A_169 = arith.maxsi %sub3A_166, %max3A_168 : vector<16xi32>
      %lt3A_170 = arith.constant 0 : i32
      %lt3A_171 = vector.broadcast %lt3A_170 : i32 to vector<16xi32>
      %lt3A_172 = arith.cmpi slt, %max3A_169, %lt3A_171 : vector<16xi32>
      %add3A_173 = arith.constant 16 : i32
      %add3A_174 = vector.broadcast %add3A_173 : i32 to vector<16xi32>
      %add3A_175 = arith.addi %max3A_169, %add3A_174 : vector<16xi32>
      %select_n3A_176 = arith.select %lt3A_172, %add3A_175, %max3A_169 : vector<16xi1>, vector<16xi32>
      %broadcast_in_dim3A_177 = vector.shape_cast %select_n3A_176 : vector<16xi32> to vector<16x1xi32>
      %gather3A_178 = vector.shape_cast %broadcast_in_dim3A_177 : vector<16x1xi32> to vector<16xi32>
      %gather3A_179 = tpu.dynamic_gather %add3A_157[%gather3A_178] in [0] : vector<16xi32>, vector<16xi32> -> vector<16xi32>
      %not3A_180 = arith.constant dense<-1> : vector<16xi32>
      %not3A_181 = arith.xori %shift_right_arithmetic3A_163, %not3A_180 : vector<16xi32>
      %and3A_182 = arith.andi %gather3A_179, %not3A_181 : vector<16xi32>
      %add3A_183 = arith.addi %add3A_157, %and3A_182 : vector<16xi32>
      %sub3A_184 = arith.constant 8 : i32
      %sub3A_185 = vector.broadcast %sub3A_184 : i32 to vector<16xi32>
      %sub3A_186 = arith.subi %iota3A, %sub3A_185 : vector<16xi32>
      %shift_right_arithmetic3A_187 = arith.constant 31 : i32
      %shift_right_arithmetic3A_188 = vector.broadcast %shift_right_arithmetic3A_187 : i32 to vector<16xi32>
      %shift_right_arithmetic3A_189 = arith.shrsi %sub3A_186, %shift_right_arithmetic3A_188 : vector<16xi32>
      %sub3A_190 = arith.constant 8 : i32
      %sub3A_191 = vector.broadcast %sub3A_190 : i32 to vector<16xi32>
      %sub3A_192 = arith.subi %iota3A, %sub3A_191 : vector<16xi32>
      %max3A_193 = arith.constant 0 : i32
      %max3A_194 = vector.broadcast %max3A_193 : i32 to vector<16xi32>
      %max3A_195 = arith.maxsi %sub3A_192, %max3A_194 : vector<16xi32>
      %lt3A_196 = arith.constant 0 : i32
      %lt3A_197 = vector.broadcast %lt3A_196 : i32 to vector<16xi32>
      %lt3A_198 = arith.cmpi slt, %max3A_195, %lt3A_197 : vector<16xi32>
      %add3A_199 = arith.constant 16 : i32
      %add3A_200 = vector.broadcast %add3A_199 : i32 to vector<16xi32>
      %add3A_201 = arith.addi %max3A_195, %add3A_200 : vector<16xi32>
      %select_n3A_202 = arith.select %lt3A_198, %add3A_201, %max3A_195 : vector<16xi1>, vector<16xi32>
      %broadcast_in_dim3A_203 = vector.shape_cast %select_n3A_202 : vector<16xi32> to vector<16x1xi32>
      %gather3A_204 = vector.shape_cast %broadcast_in_dim3A_203 : vector<16x1xi32> to vector<16xi32>
      %gather3A_205 = tpu.dynamic_gather %add3A_183[%gather3A_204] in [0] : vector<16xi32>, vector<16xi32> -> vector<16xi32>
      %not3A_206 = arith.constant dense<-1> : vector<16xi32>
      %not3A_207 = arith.xori %shift_right_arithmetic3A_189, %not3A_206 : vector<16xi32>
      %and3A_208 = arith.andi %gather3A_205, %not3A_207 : vector<16xi32>
      %add3A_209 = arith.addi %add3A_183, %and3A_208 : vector<16xi32>
      %add3A_210 = arith.addi %scan3A_95, %add3A_209 : vector<16xi32>
      %sub3A_211 = arith.constant 1 : i32
      %sub3A_212 = vector.broadcast %sub3A_211 : i32 to vector<16xi32>
      %sub3A_213 = arith.subi %add3A_210, %sub3A_212 : vector<16xi32>
      %max3A_214 = arith.constant 0 : i32
      %max3A_215 = vector.broadcast %max3A_214 : i32 to vector<16xi32>
      %max3A_216 = arith.maxsi %sub3A_213, %max3A_215 : vector<16xi32>
      %add3A_217 = arith.addi %scan3A_94, %iota3A : vector<16xi32>
      %sub3A_218 = arith.subi %add3A_217, %add3A_209 : vector<16xi32>
      %max3A_219 = arith.constant 0 : i32
      %max3A_220 = vector.broadcast %max3A_219 : i32 to vector<16xi32>
      %max3A_221 = arith.maxsi %sub3A_218, %max3A_220 : vector<16xi32>
      tpu.vector_store_idx %arg6[%max3A_221], %add3A_100 masked %not3A_107 : memref<1040xi32, #tpu.memory_space<vmem>>[vector<16xi32>], vector<16xi32>, vector<16xi1>
      tpu.vector_store_idx %arg7[%max3A_216], %add3A_100 masked %ne3A_106 : memref<1040xi32, #tpu.memory_space<vmem>>[vector<16xi32>], vector<16xi32>, vector<16xi1>
      %broadcast_in_dim3A_222 = arith.constant 15 : i32
      %broadcast_in_dim3A_223 = vector.broadcast %broadcast_in_dim3A_222 : i32 to vector<16xi32>
      %lt3A_224 = arith.constant 0 : i32
      %lt3A_225 = vector.broadcast %lt3A_224 : i32 to vector<16xi32>
      %lt3A_226 = arith.cmpi slt, %broadcast_in_dim3A_223, %lt3A_225 : vector<16xi32>
      %add3A_227 = arith.constant 16 : i32
      %add3A_228 = vector.broadcast %add3A_227 : i32 to vector<16xi32>
      %add3A_229 = arith.addi %broadcast_in_dim3A_223, %add3A_228 : vector<16xi32>
      %select_n3A_230 = arith.select %lt3A_226, %add3A_229, %broadcast_in_dim3A_223 : vector<16xi1>, vector<16xi32>
      %broadcast_in_dim3A_231 = vector.shape_cast %select_n3A_230 : vector<16xi32> to vector<16x1xi32>
      %gather3A_232 = vector.shape_cast %broadcast_in_dim3A_231 : vector<16x1xi32> to vector<16xi32>
      %gather3A_233 = tpu.dynamic_gather %add3A_209[%gather3A_232] in [0] : vector<16xi32>, vector<16xi32> -> vector<16xi32>
      %sub3A_234 = arith.constant 16 : i32
      %sub3A_235 = vector.broadcast %sub3A_234 : i32 to vector<16xi32>
      %sub3A_236 = arith.subi %sub3A_235, %gather3A_233 : vector<16xi32>
      %add3A_237 = arith.addi %scan3A_94, %sub3A_236 : vector<16xi32>
      %add3A_238 = arith.addi %scan3A_95, %gather3A_233 : vector<16xi32>
      scf.yield %add3A_237, %add3A_238 : vector<16xi32>, vector<16xi32>
    }
    %scan3A_17 = arith.constant 64 : i32
    %slice3A = vector.extract_strided_slice %scan3A_16#0 {offsets = [0], sizes = [1], strides = [1]} : vector<16xi32> to vector<1xi32>
    %squeeze3A = vector.extract %slice3A[0] : i32 from vector<1xi32>
    %slice3A_18 = vector.extract_strided_slice %scan3A_16#1 {offsets = [0], sizes = [1], strides = [1]} : vector<16xi32> to vector<1xi32>
    %squeeze3A_19 = vector.extract %slice3A_18[0] : i32 from vector<1xi32>
    %gt3A = arith.constant 0 : i32
    %gt3A_20 = arith.cmpi sgt, %squeeze3A, %gt3A : i32
    %convert_element_type3A = arith.extui %gt3A_20 : i1 to i32
    %cond3A = arith.constant 0 : i32
    %cond3A_21 = arith.cmpi ne, %convert_element_type3A, %cond3A : i32
    scf.if %cond3A_21 {
      %neg3A = arith.constant 0 : i32
      %neg3A_93 = arith.subi %neg3A, %squeeze3A : i32
      %jit3A_94 = arith.constant 16 : i32
      %eq3A = arith.constant 0 : i32
      %eq3A_95 = arith.cmpi eq, %jit3A_94, %eq3A : i32
      %jit3A_96 = arith.constant 1 : i32
      %select_n3A_97 = arith.select %eq3A_95, %jit3A_96, %jit3A_94 : i32
      %rem3A_98 = arith.remsi %neg3A_93, %select_n3A_97 : i32
      %ne3A_99 = arith.constant 0 : i32
      %ne3A_100 = arith.cmpi ne, %rem3A_98, %ne3A_99 : i32
      %lt3A = arith.constant 0 : i32
      %lt3A_101 = arith.cmpi slt, %rem3A_98, %lt3A : i32
      %lt3A_102 = arith.constant 0 : i32
      %lt3A_103 = arith.cmpi slt, %select_n3A_97, %lt3A_102 : i32
      %ne3A_104 = arith.xori %lt3A_101, %lt3A_103 : i1
      %and3A_105 = arith.andi %ne3A_104, %ne3A_100 : i1
      %add3A_106 = arith.addi %rem3A_98, %select_n3A_97 : i32
      %select_n3A_107 = arith.select %and3A_105, %add3A_106, %rem3A_98 : i32
      %gt3A_108 = arith.constant 0 : i32
      %gt3A_109 = arith.cmpi sgt, %select_n3A_107, %gt3A_108 : i32
      %convert_element_type3A_110 = arith.extui %gt3A_109 : i1 to i32
      %cond3A_111 = arith.constant 0 : i32
      %cond3A_112 = arith.cmpi ne, %convert_element_type3A_110, %cond3A_111 : i32
      scf.if %cond3A_112 {
        %sub3A_151 = arith.constant 1 : i32
        %sub3A_152 = arith.subi %squeeze3A, %sub3A_151 : i32
        %jit3A_153 = arith.constant 16 : i32
        %div3A_154 = arith.divsi %sub3A_152, %jit3A_153 : i32
        %sign3A_155 = arith.constant 0 : i32
        %sign3A_156 = arith.cmpi sgt, %sub3A_152, %sign3A_155 : i32
        %sign3A_157 = arith.extui %sign3A_156 : i1 to i32
        %sign3A_158 = arith.constant 0 : i32
        %sign3A_159 = arith.cmpi slt, %sub3A_152, %sign3A_158 : i32
        %sign3A_160 = arith.extui %sign3A_159 : i1 to i32
        %sign3A_161 = arith.subi %sign3A_157, %sign3A_160 : i32
        %sign3A_162 = arith.constant 0 : i32
        %sign3A_163 = arith.cmpi sgt, %jit3A_153, %sign3A_162 : i32
        %sign3A_164 = arith.extui %sign3A_163 : i1 to i32
        %sign3A_165 = arith.constant 0 : i32
        %sign3A_166 = arith.cmpi slt, %jit3A_153, %sign3A_165 : i32
        %sign3A_167 = arith.extui %sign3A_166 : i1 to i32
        %sign3A_168 = arith.subi %sign3A_164, %sign3A_167 : i32
        %ne3A_169 = arith.cmpi ne, %sign3A_161, %sign3A_168 : i32
        %rem3A_170 = arith.remsi %sub3A_152, %jit3A_153 : i32
        %ne3A_171 = arith.constant 0 : i32
        %ne3A_172 = arith.cmpi ne, %rem3A_170, %ne3A_171 : i32
        %and3A_173 = arith.andi %ne3A_169, %ne3A_172 : i1
        %sub3A_174 = arith.constant 1 : i32
        %sub3A_175 = arith.subi %div3A_154, %sub3A_174 : i32
        %select_n3A_176 = arith.select %and3A_173, %sub3A_175, %div3A_154 : i32
        %mul3A_177 = arith.constant 16 : i32
        %mul3A_178 = arith.muli %select_n3A_176, %mul3A_177 : i32
        %get3A = arith.index_cast %mul3A_178 : i32 to index
        %get3A_179 = tpu.vector_load %arg6[%get3A] {strides = array<i32>} : memref<1040xi32, #tpu.memory_space<vmem>>, vector<16xi32>,
        %sub3A_180 = arith.constant 1 : i32
        %sub3A_181 = arith.subi %squeeze3A, %sub3A_180 : i32
        %jit3A_182 = arith.constant 16 : i32
        %eq3A_183 = arith.constant 0 : i32
        %eq3A_184 = arith.cmpi eq, %jit3A_182, %eq3A_183 : i32
        %jit3A_185 = arith.constant 1 : i32
        %select_n3A_186 = arith.select %eq3A_184, %jit3A_185, %jit3A_182 : i32
        %rem3A_187 = arith.remsi %sub3A_181, %select_n3A_186 : i32
        %ne3A_188 = arith.constant 0 : i32
        %ne3A_189 = arith.cmpi ne, %rem3A_187, %ne3A_188 : i32
        %lt3A_190 = arith.constant 0 : i32
        %lt3A_191 = arith.cmpi slt, %rem3A_187, %lt3A_190 : i32
        %lt3A_192 = arith.constant 0 : i32
        %lt3A_193 = arith.cmpi slt, %select_n3A_186, %lt3A_192 : i32
        %ne3A_194 = arith.xori %lt3A_191, %lt3A_193 : i1
        %and3A_195 = arith.andi %ne3A_194, %ne3A_189 : i1
        %add3A_196 = arith.addi %rem3A_187, %select_n3A_186 : i32
        %select_n3A_197 = arith.select %and3A_195, %add3A_196, %rem3A_187 : i32
        %broadcast_in_dim3A_198 = vector.broadcast %select_n3A_197 : i32 to vector<16xi32>
        %lt3A_199 = arith.constant 0 : i32
        %lt3A_200 = vector.broadcast %lt3A_199 : i32 to vector<16xi32>
        %lt3A_201 = arith.cmpi slt, %broadcast_in_dim3A_198, %lt3A_200 : vector<16xi32>
        %add3A_202 = arith.constant 16 : i32
        %add3A_203 = vector.broadcast %add3A_202 : i32 to vector<16xi32>
        %add3A_204 = arith.addi %broadcast_in_dim3A_198, %add3A_203 : vector<16xi32>
        %select_n3A_205 = arith.select %lt3A_201, %add3A_204, %broadcast_in_dim3A_198 : vector<16xi1>, vector<16xi32>
        %broadcast_in_dim3A_206 = vector.shape_cast %select_n3A_205 : vector<16xi32> to vector<16x1xi32>
        %gather3A = vector.shape_cast %broadcast_in_dim3A_206 : vector<16x1xi32> to vector<16xi32>
        %gather3A_207 = tpu.dynamic_gather %get3A_179[%gather3A] in [0] : vector<16xi32>, vector<16xi32> -> vector<16xi32>
        %add3A_208 = vector.broadcast %squeeze3A : i32 to vector<16xi32>
        %add3A_209 = arith.addi %add3A_208, %iota3A : vector<16xi32>
        %lt3A_210 = vector.broadcast %select_n3A_107 : i32 to vector<16xi32>
        %lt3A_211 = arith.cmpi slt, %iota3A, %lt3A_210 : vector<16xi32>
        tpu.vector_store_idx %arg6[%add3A_209], %gather3A_207 masked %lt3A_211 : memref<1040xi32, #tpu.memory_space<vmem>>[vector<16xi32>], vector<16xi32>, vector<16xi1>
      } else {
      }
      %add3A_113 = arith.constant 16 : i32
      %add3A_114 = arith.addi %squeeze3A, %add3A_113 : i32
      %sub3A_115 = arith.constant 1 : i32
      %sub3A_116 = arith.subi %add3A_114, %sub3A_115 : i32
      %jit3A_117 = arith.constant 16 : i32
      %div3A_118 = arith.divsi %sub3A_116, %jit3A_117 : i32
      %sign3A_119 = arith.constant 0 : i32
      %sign3A_120 = arith.cmpi sgt, %sub3A_116, %sign3A_119 : i32
      %sign3A_121 = arith.extui %sign3A_120 : i1 to i32
      %sign3A_122 = arith.constant 0 : i32
      %sign3A_123 = arith.cmpi slt, %sub3A_116, %sign3A_122 : i32
      %sign3A_124 = arith.extui %sign3A_123 : i1 to i32
      %sign3A_125 = arith.subi %sign3A_121, %sign3A_124 : i32
      %sign3A_126 = arith.constant 0 : i32
      %sign3A_127 = arith.cmpi sgt, %jit3A_117, %sign3A_126 : i32
      %sign3A_128 = arith.extui %sign3A_127 : i1 to i32
      %sign3A_129 = arith.constant 0 : i32
      %sign3A_130 = arith.cmpi slt, %jit3A_117, %sign3A_129 : i32
      %sign3A_131 = arith.extui %sign3A_130 : i1 to i32
      %sign3A_132 = arith.subi %sign3A_128, %sign3A_131 : i32
      %ne3A_133 = arith.cmpi ne, %sign3A_125, %sign3A_132 : i32
      %rem3A_134 = arith.remsi %sub3A_116, %jit3A_117 : i32
      %ne3A_135 = arith.constant 0 : i32
      %ne3A_136 = arith.cmpi ne, %rem3A_134, %ne3A_135 : i32
      %and3A_137 = arith.andi %ne3A_133, %ne3A_136 : i1
      %sub3A_138 = arith.constant 1 : i32
      %sub3A_139 = arith.subi %div3A_118, %sub3A_138 : i32
      %select_n3A_140 = arith.select %and3A_137, %sub3A_139, %div3A_118 : i32
      %while3A_141 = arith.constant 0 : i32
      %while3A_142 = arith.constant 0 : i32
      %while3A_143 = arith.subi %select_n3A_140, %while3A_142 : i32
      %while3A_144 = arith.addi %while3A_142, %while3A_143 : i32
      %while3A_145 = arith.constant 1 : i32
      %while3A_146 = arith.divsi %while3A_143, %while3A_145 : i32
      %while3A_147 = arith.muli %while3A_146, %while3A_145 : i32
      %while3A_148 = arith.addi %while3A_142, %while3A_147 : i32
      %while3A_149 = arith.constant 1 : i32
      scf.for %while3A_151 = %while3A_142 to %while3A_148 step %while3A_149  : i32 {
        %mul3A_152 = arith.constant 16 : i32
        %mul3A_153 = arith.muli %while3A_151, %mul3A_152 : i32
        %dma_start3A_154 = tpu.memref_slice %arg6[%mul3A_153] : memref<1040xi32, #tpu.memory_space<vmem>> -> memref<16xi32, #tpu.memory_space<vmem>>
        %dma_start3A_155 = arith.constant 0 : i32
        %dma_start3A_156 = arith.constant 0 : i32
        %dma_start3A_157 = tpu.memref_slice %arg4[%dma_start3A_155, %dma_start3A_156] : memref<32768x1024xf32, #tpu.memory_space<hbm>> -> memref<32768x1024xf32, #tpu.memory_space<hbm>>
        tpu.enqueue_indirect_dma source(%arg10 : memref<16x1024xf32, #tpu.memory_space<vmem>>) target(%dma_start3A_157 : memref<32768x1024xf32, #tpu.memory_space<hbm>>) offsets(%dma_start3A_154 : memref<16xi32, #tpu.memory_space<vmem>>) semaphore(%arg12 : memref<!tpu.dma_semaphore, #tpu.memory_space<semaphore_mem>>)
      }
      %while3A_150 = arith.constant 1 : i32
      scf.for %while3A_151 = %while3A_148 to %while3A_144 step %while3A_150  : i32 {
        %mul3A_152 = arith.constant 16 : i32
        %mul3A_153 = arith.muli %while3A_151, %mul3A_152 : i32
        %dma_start3A_154 = tpu.memref_slice %arg6[%mul3A_153] : memref<1040xi32, #tpu.memory_space<vmem>> -> memref<16xi32, #tpu.memory_space<vmem>>
        %dma_start3A_155 = arith.constant 0 : i32
        %dma_start3A_156 = arith.constant 0 : i32
        %dma_start3A_157 = tpu.memref_slice %arg4[%dma_start3A_155, %dma_start3A_156] : memref<32768x1024xf32, #tpu.memory_space<hbm>> -> memref<32768x1024xf32, #tpu.memory_space<hbm>>
        tpu.enqueue_indirect_dma source(%arg10 : memref<16x1024xf32, #tpu.memory_space<vmem>>) target(%dma_start3A_157 : memref<32768x1024xf32, #tpu.memory_space<hbm>>) offsets(%dma_start3A_154 : memref<16xi32, #tpu.memory_space<vmem>>) semaphore(%arg12 : memref<!tpu.dma_semaphore, #tpu.memory_space<semaphore_mem>>)
      }
    } else {
    }
    %gt3A_22 = arith.constant 0 : i32
    %gt3A_23 = arith.cmpi sgt, %squeeze3A, %gt3A_22 : i32
    %add3A_24 = arith.constant 16 : i32
    %add3A_25 = arith.addi %squeeze3A, %add3A_24 : i32
    %sub3A = arith.constant 1 : i32
    %sub3A_26 = arith.subi %add3A_25, %sub3A : i32
    %jit3A = arith.constant 16 : i32
    %div3A = arith.divsi %sub3A_26, %jit3A : i32
    %sign3A = arith.constant 0 : i32
    %sign3A_27 = arith.cmpi sgt, %sub3A_26, %sign3A : i32
    %sign3A_28 = arith.extui %sign3A_27 : i1 to i32
    %sign3A_29 = arith.constant 0 : i32
    %sign3A_30 = arith.cmpi slt, %sub3A_26, %sign3A_29 : i32
    %sign3A_31 = arith.extui %sign3A_30 : i1 to i32
    %sign3A_32 = arith.subi %sign3A_28, %sign3A_31 : i32
    %sign3A_33 = arith.constant 0 : i32
    %sign3A_34 = arith.cmpi sgt, %jit3A, %sign3A_33 : i32
    %sign3A_35 = arith.extui %sign3A_34 : i1 to i32
    %sign3A_36 = arith.constant 0 : i32
    %sign3A_37 = arith.cmpi slt, %jit3A, %sign3A_36 : i32
    %sign3A_38 = arith.extui %sign3A_37 : i1 to i32
    %sign3A_39 = arith.subi %sign3A_35, %sign3A_38 : i32
    %ne3A = arith.cmpi ne, %sign3A_32, %sign3A_39 : i32
    %rem3A = arith.remsi %sub3A_26, %jit3A : i32
    %ne3A_40 = arith.constant 0 : i32
    %ne3A_41 = arith.cmpi ne, %rem3A, %ne3A_40 : i32
    %and3A = arith.andi %ne3A, %ne3A_41 : i1
    %sub3A_42 = arith.constant 1 : i32
    %sub3A_43 = arith.subi %div3A, %sub3A_42 : i32
    %select_n3A = arith.select %and3A, %sub3A_43, %div3A : i32
    %jit3A_44 = arith.constant 0 : i32
    %select_n3A_45 = arith.select %gt3A_23, %select_n3A, %jit3A_44 : i32
    %gt3A_46 = arith.constant 0 : i32
    %gt3A_47 = arith.cmpi sgt, %squeeze3A_19, %gt3A_46 : i32
    %convert_element_type3A_48 = arith.extui %gt3A_47 : i1 to i32
    %cond3A_49 = arith.constant 0 : i32
    %cond3A_50 = arith.cmpi ne, %convert_element_type3A_48, %cond3A_49 : i32
    scf.if %cond3A_50 {
      %neg3A = arith.constant 0 : i32
      %neg3A_93 = arith.subi %neg3A, %squeeze3A_19 : i32
      %jit3A_94 = arith.constant 16 : i32
      %eq3A = arith.constant 0 : i32
      %eq3A_95 = arith.cmpi eq, %jit3A_94, %eq3A : i32
      %jit3A_96 = arith.constant 1 : i32
      %select_n3A_97 = arith.select %eq3A_95, %jit3A_96, %jit3A_94 : i32
      %rem3A_98 = arith.remsi %neg3A_93, %select_n3A_97 : i32
      %ne3A_99 = arith.constant 0 : i32
      %ne3A_100 = arith.cmpi ne, %rem3A_98, %ne3A_99 : i32
      %lt3A = arith.constant 0 : i32
      %lt3A_101 = arith.cmpi slt, %rem3A_98, %lt3A : i32
      %lt3A_102 = arith.constant 0 : i32
      %lt3A_103 = arith.cmpi slt, %select_n3A_97, %lt3A_102 : i32
      %ne3A_104 = arith.xori %lt3A_101, %lt3A_103 : i1
      %and3A_105 = arith.andi %ne3A_104, %ne3A_100 : i1
      %add3A_106 = arith.addi %rem3A_98, %select_n3A_97 : i32
      %select_n3A_107 = arith.select %and3A_105, %add3A_106, %rem3A_98 : i32
      %gt3A_108 = arith.constant 0 : i32
      %gt3A_109 = arith.cmpi sgt, %select_n3A_107, %gt3A_108 : i32
      %convert_element_type3A_110 = arith.extui %gt3A_109 : i1 to i32
      %cond3A_111 = arith.constant 0 : i32
      %cond3A_112 = arith.cmpi ne, %convert_element_type3A_110, %cond3A_111 : i32
      scf.if %cond3A_112 {
        %sub3A_151 = arith.constant 1 : i32
        %sub3A_152 = arith.subi %squeeze3A_19, %sub3A_151 : i32
        %jit3A_153 = arith.constant 16 : i32
        %div3A_154 = arith.divsi %sub3A_152, %jit3A_153 : i32
        %sign3A_155 = arith.constant 0 : i32
        %sign3A_156 = arith.cmpi sgt, %sub3A_152, %sign3A_155 : i32
        %sign3A_157 = arith.extui %sign3A_156 : i1 to i32
        %sign3A_158 = arith.constant 0 : i32
        %sign3A_159 = arith.cmpi slt, %sub3A_152, %sign3A_158 : i32
        %sign3A_160 = arith.extui %sign3A_159 : i1 to i32
        %sign3A_161 = arith.subi %sign3A_157, %sign3A_160 : i32
        %sign3A_162 = arith.constant 0 : i32
        %sign3A_163 = arith.cmpi sgt, %jit3A_153, %sign3A_162 : i32
        %sign3A_164 = arith.extui %sign3A_163 : i1 to i32
        %sign3A_165 = arith.constant 0 : i32
        %sign3A_166 = arith.cmpi slt, %jit3A_153, %sign3A_165 : i32
        %sign3A_167 = arith.extui %sign3A_166 : i1 to i32
        %sign3A_168 = arith.subi %sign3A_164, %sign3A_167 : i32
        %ne3A_169 = arith.cmpi ne, %sign3A_161, %sign3A_168 : i32
        %rem3A_170 = arith.remsi %sub3A_152, %jit3A_153 : i32
        %ne3A_171 = arith.constant 0 : i32
        %ne3A_172 = arith.cmpi ne, %rem3A_170, %ne3A_171 : i32
        %and3A_173 = arith.andi %ne3A_169, %ne3A_172 : i1
        %sub3A_174 = arith.constant 1 : i32
        %sub3A_175 = arith.subi %div3A_154, %sub3A_174 : i32
        %select_n3A_176 = arith.select %and3A_173, %sub3A_175, %div3A_154 : i32
        %mul3A_177 = arith.constant 16 : i32
        %mul3A_178 = arith.muli %select_n3A_176, %mul3A_177 : i32
        %get3A = arith.index_cast %mul3A_178 : i32 to index
        %get3A_179 = tpu.vector_load %arg7[%get3A] {strides = array<i32>} : memref<1040xi32, #tpu.memory_space<vmem>>, vector<16xi32>,
        %sub3A_180 = arith.constant 1 : i32
        %sub3A_181 = arith.subi %squeeze3A_19, %sub3A_180 : i32
        %jit3A_182 = arith.constant 16 : i32
        %eq3A_183 = arith.constant 0 : i32
        %eq3A_184 = arith.cmpi eq, %jit3A_182, %eq3A_183 : i32
        %jit3A_185 = arith.constant 1 : i32
        %select_n3A_186 = arith.select %eq3A_184, %jit3A_185, %jit3A_182 : i32
        %rem3A_187 = arith.remsi %sub3A_181, %select_n3A_186 : i32
        %ne3A_188 = arith.constant 0 : i32
        %ne3A_189 = arith.cmpi ne, %rem3A_187, %ne3A_188 : i32
        %lt3A_190 = arith.constant 0 : i32
        %lt3A_191 = arith.cmpi slt, %rem3A_187, %lt3A_190 : i32
        %lt3A_192 = arith.constant 0 : i32
        %lt3A_193 = arith.cmpi slt, %select_n3A_186, %lt3A_192 : i32
        %ne3A_194 = arith.xori %lt3A_191, %lt3A_193 : i1
        %and3A_195 = arith.andi %ne3A_194, %ne3A_189 : i1
        %add3A_196 = arith.addi %rem3A_187, %select_n3A_186 : i32
        %select_n3A_197 = arith.select %and3A_195, %add3A_196, %rem3A_187 : i32
        %broadcast_in_dim3A_198 = vector.broadcast %select_n3A_197 : i32 to vector<16xi32>
        %lt3A_199 = arith.constant 0 : i32
        %lt3A_200 = vector.broadcast %lt3A_199 : i32 to vector<16xi32>
        %lt3A_201 = arith.cmpi slt, %broadcast_in_dim3A_198, %lt3A_200 : vector<16xi32>
        %add3A_202 = arith.constant 16 : i32
        %add3A_203 = vector.broadcast %add3A_202 : i32 to vector<16xi32>
        %add3A_204 = arith.addi %broadcast_in_dim3A_198, %add3A_203 : vector<16xi32>
        %select_n3A_205 = arith.select %lt3A_201, %add3A_204, %broadcast_in_dim3A_198 : vector<16xi1>, vector<16xi32>
        %broadcast_in_dim3A_206 = vector.shape_cast %select_n3A_205 : vector<16xi32> to vector<16x1xi32>
        %gather3A = vector.shape_cast %broadcast_in_dim3A_206 : vector<16x1xi32> to vector<16xi32>
        %gather3A_207 = tpu.dynamic_gather %get3A_179[%gather3A] in [0] : vector<16xi32>, vector<16xi32> -> vector<16xi32>
        %add3A_208 = vector.broadcast %squeeze3A_19 : i32 to vector<16xi32>
        %add3A_209 = arith.addi %add3A_208, %iota3A : vector<16xi32>
        %lt3A_210 = vector.broadcast %select_n3A_107 : i32 to vector<16xi32>
        %lt3A_211 = arith.cmpi slt, %iota3A, %lt3A_210 : vector<16xi32>
        tpu.vector_store_idx %arg7[%add3A_209], %gather3A_207 masked %lt3A_211 : memref<1040xi32, #tpu.memory_space<vmem>>[vector<16xi32>], vector<16xi32>, vector<16xi1>
      } else {
      }
      %add3A_113 = arith.constant 16 : i32
      %add3A_114 = arith.addi %squeeze3A_19, %add3A_113 : i32
      %sub3A_115 = arith.constant 1 : i32
      %sub3A_116 = arith.subi %add3A_114, %sub3A_115 : i32
      %jit3A_117 = arith.constant 16 : i32
      %div3A_118 = arith.divsi %sub3A_116, %jit3A_117 : i32
      %sign3A_119 = arith.constant 0 : i32
      %sign3A_120 = arith.cmpi sgt, %sub3A_116, %sign3A_119 : i32
      %sign3A_121 = arith.extui %sign3A_120 : i1 to i32
      %sign3A_122 = arith.constant 0 : i32
      %sign3A_123 = arith.cmpi slt, %sub3A_116, %sign3A_122 : i32
      %sign3A_124 = arith.extui %sign3A_123 : i1 to i32
      %sign3A_125 = arith.subi %sign3A_121, %sign3A_124 : i32
      %sign3A_126 = arith.constant 0 : i32
      %sign3A_127 = arith.cmpi sgt, %jit3A_117, %sign3A_126 : i32
      %sign3A_128 = arith.extui %sign3A_127 : i1 to i32
      %sign3A_129 = arith.constant 0 : i32
      %sign3A_130 = arith.cmpi slt, %jit3A_117, %sign3A_129 : i32
      %sign3A_131 = arith.extui %sign3A_130 : i1 to i32
      %sign3A_132 = arith.subi %sign3A_128, %sign3A_131 : i32
      %ne3A_133 = arith.cmpi ne, %sign3A_125, %sign3A_132 : i32
      %rem3A_134 = arith.remsi %sub3A_116, %jit3A_117 : i32
      %ne3A_135 = arith.constant 0 : i32
      %ne3A_136 = arith.cmpi ne, %rem3A_134, %ne3A_135 : i32
      %and3A_137 = arith.andi %ne3A_133, %ne3A_136 : i1
      %sub3A_138 = arith.constant 1 : i32
      %sub3A_139 = arith.subi %div3A_118, %sub3A_138 : i32
      %select_n3A_140 = arith.select %and3A_137, %sub3A_139, %div3A_118 : i32
      %while3A_141 = arith.constant 0 : i32
      %while3A_142 = arith.constant 0 : i32
      %while3A_143 = arith.subi %select_n3A_140, %while3A_142 : i32
      %while3A_144 = arith.addi %while3A_142, %while3A_143 : i32
      %while3A_145 = arith.constant 1 : i32
      %while3A_146 = arith.divsi %while3A_143, %while3A_145 : i32
      %while3A_147 = arith.muli %while3A_146, %while3A_145 : i32
      %while3A_148 = arith.addi %while3A_142, %while3A_147 : i32
      %while3A_149 = arith.constant 1 : i32
      scf.for %while3A_151 = %while3A_142 to %while3A_148 step %while3A_149  : i32 {
        %mul3A_152 = arith.constant 16 : i32
        %mul3A_153 = arith.muli %while3A_151, %mul3A_152 : i32
        %dma_start3A_154 = tpu.memref_slice %arg7[%mul3A_153] : memref<1040xi32, #tpu.memory_space<vmem>> -> memref<16xi32, #tpu.memory_space<vmem>>
        %dma_start3A_155 = arith.constant 0 : i32
        %dma_start3A_156 = arith.constant 0 : i32
        %dma_start3A_157 = tpu.memref_slice %arg4[%dma_start3A_155, %dma_start3A_156] : memref<32768x1024xf32, #tpu.memory_space<hbm>> -> memref<32768x1024xf32, #tpu.memory_space<hbm>>
        tpu.enqueue_indirect_dma source(%arg11 : memref<16x1024xf32, #tpu.memory_space<vmem>>) target(%dma_start3A_157 : memref<32768x1024xf32, #tpu.memory_space<hbm>>) offsets(%dma_start3A_154 : memref<16xi32, #tpu.memory_space<vmem>>) semaphore(%arg12 : memref<!tpu.dma_semaphore, #tpu.memory_space<semaphore_mem>>)
      }
      %while3A_150 = arith.constant 1 : i32
      scf.for %while3A_151 = %while3A_148 to %while3A_144 step %while3A_150  : i32 {
        %mul3A_152 = arith.constant 16 : i32
        %mul3A_153 = arith.muli %while3A_151, %mul3A_152 : i32
        %dma_start3A_154 = tpu.memref_slice %arg7[%mul3A_153] : memref<1040xi32, #tpu.memory_space<vmem>> -> memref<16xi32, #tpu.memory_space<vmem>>
        %dma_start3A_155 = arith.constant 0 : i32
        %dma_start3A_156 = arith.constant 0 : i32
        %dma_start3A_157 = tpu.memref_slice %arg4[%dma_start3A_155, %dma_start3A_156] : memref<32768x1024xf32, #tpu.memory_space<hbm>> -> memref<32768x1024xf32, #tpu.memory_space<hbm>>
        tpu.enqueue_indirect_dma source(%arg11 : memref<16x1024xf32, #tpu.memory_space<vmem>>) target(%dma_start3A_157 : memref<32768x1024xf32, #tpu.memory_space<hbm>>) offsets(%dma_start3A_154 : memref<16xi32, #tpu.memory_space<vmem>>) semaphore(%arg12 : memref<!tpu.dma_semaphore, #tpu.memory_space<semaphore_mem>>)
      }
    } else {
    }
    %gt3A_51 = arith.constant 0 : i32
    %gt3A_52 = arith.cmpi sgt, %squeeze3A_19, %gt3A_51 : i32
    %add3A_53 = arith.constant 16 : i32
    %add3A_54 = arith.addi %squeeze3A_19, %add3A_53 : i32
    %sub3A_55 = arith.constant 1 : i32
    %sub3A_56 = arith.subi %add3A_54, %sub3A_55 : i32
    %jit3A_57 = arith.constant 16 : i32
    %div3A_58 = arith.divsi %sub3A_56, %jit3A_57 : i32
    %sign3A_59 = arith.constant 0 : i32
    %sign3A_60 = arith.cmpi sgt, %sub3A_56, %sign3A_59 : i32
    %sign3A_61 = arith.extui %sign3A_60 : i1 to i32
    %sign3A_62 = arith.constant 0 : i32
    %sign3A_63 = arith.cmpi slt, %sub3A_56, %sign3A_62 : i32
    %sign3A_64 = arith.extui %sign3A_63 : i1 to i32
    %sign3A_65 = arith.subi %sign3A_61, %sign3A_64 : i32
    %sign3A_66 = arith.constant 0 : i32
    %sign3A_67 = arith.cmpi sgt, %jit3A_57, %sign3A_66 : i32
    %sign3A_68 = arith.extui %sign3A_67 : i1 to i32
    %sign3A_69 = arith.constant 0 : i32
    %sign3A_70 = arith.cmpi slt, %jit3A_57, %sign3A_69 : i32
    %sign3A_71 = arith.extui %sign3A_70 : i1 to i32
    %sign3A_72 = arith.subi %sign3A_68, %sign3A_71 : i32
    %ne3A_73 = arith.cmpi ne, %sign3A_65, %sign3A_72 : i32
    %rem3A_74 = arith.remsi %sub3A_56, %jit3A_57 : i32
    %ne3A_75 = arith.constant 0 : i32
    %ne3A_76 = arith.cmpi ne, %rem3A_74, %ne3A_75 : i32
    %and3A_77 = arith.andi %ne3A_73, %ne3A_76 : i1
    %sub3A_78 = arith.constant 1 : i32
    %sub3A_79 = arith.subi %div3A_58, %sub3A_78 : i32
    %select_n3A_80 = arith.select %and3A_77, %sub3A_79, %div3A_58 : i32
    %jit3A_81 = arith.constant 0 : i32
    %select_n3A_82 = arith.select %gt3A_52, %select_n3A_80, %jit3A_81 : i32
    %add3A_83 = arith.addi %select_n3A_45, %select_n3A_82 : i32
    %while3A = arith.constant 0 : i32
    %while3A_84 = arith.constant 0 : i32
    %while3A_85 = arith.subi %add3A_83, %while3A_84 : i32
    %while3A_86 = arith.addi %while3A_84, %while3A_85 : i32
    %while3A_87 = arith.constant 1 : i32
    %while3A_88 = arith.divsi %while3A_85, %while3A_87 : i32
    %while3A_89 = arith.muli %while3A_88, %while3A_87 : i32
    %while3A_90 = arith.addi %while3A_84, %while3A_89 : i32
    %while3A_91 = arith.constant 1 : i32
    scf.for %while3A_93 = %while3A_84 to %while3A_90 step %while3A_91  : i32 {
      %dma_wait3A_94 = arith.constant 0 : i32
      %dma_wait3A_95 = tpu.memref_slice %arg6[%dma_wait3A_94] : memref<1040xi32, #tpu.memory_space<vmem>> -> memref<16xi32, #tpu.memory_space<vmem>>
      %dma_wait3A_96 = arith.constant 0 : i32
      %dma_wait3A_97 = arith.constant 0 : i32
      %dma_wait3A_98 = tpu.memref_slice %arg4[%dma_wait3A_96, %dma_wait3A_97] : memref<32768x1024xf32, #tpu.memory_space<hbm>> -> memref<32768x1024xf32, #tpu.memory_space<hbm>>
      tpu.wait_indirect_dma semaphore(%arg12 : memref<!tpu.dma_semaphore, #tpu.memory_space<semaphore_mem>>) src(%arg10 : memref<16x1024xf32, #tpu.memory_space<vmem>>) dst(%dma_wait3A_98 : memref<32768x1024xf32, #tpu.memory_space<hbm>>)
    }
    %while3A_92 = arith.constant 1 : i32
    scf.for %while3A_93 = %while3A_90 to %while3A_86 step %while3A_92  : i32 {
      %dma_wait3A_94 = arith.constant 0 : i32
      %dma_wait3A_95 = tpu.memref_slice %arg6[%dma_wait3A_94] : memref<1040xi32, #tpu.memory_space<vmem>> -> memref<16xi32, #tpu.memory_space<vmem>>
      %dma_wait3A_96 = arith.constant 0 : i32
      %dma_wait3A_97 = arith.constant 0 : i32
      %dma_wait3A_98 = tpu.memref_slice %arg4[%dma_wait3A_96, %dma_wait3A_97] : memref<32768x1024xf32, #tpu.memory_space<hbm>> -> memref<32768x1024xf32, #tpu.memory_space<hbm>>
      tpu.wait_indirect_dma semaphore(%arg12 : memref<!tpu.dma_semaphore, #tpu.memory_space<semaphore_mem>>) src(%arg10 : memref<16x1024xf32, #tpu.memory_space<vmem>>) dst(%dma_wait3A_98 : memref<32768x1024xf32, #tpu.memory_space<hbm>>)
    }
    return
  }
}

</mosaic_0001>

<sc_bundles>
// kernel: _lookup.3.cloned.1.call-start
scs
__scs_entry_jumppad:
0x0: {  	(pc) =	sbr.rel $0x88, $3  }
0x1: {  	(tag) =	ssettag $0x0;
	lr =	simm.s32 $0x1  }
0x2: {  	[smem:$0x3F9F] =	sst lr;
	_ =	strace $0xD0000000  }
0x3: {  	_ = 	snop  }
0x4: {  	_ = 	snop  }
0x5: {  	_ = 	snop  }
0x6: {  	_ = 	snop  }
0x7: {  	_ = 	snop  }
__scs_overlays_trampoline_lowered:
0x8: {  	[smem:$0x3FAE] =	sst s0  }
0x9: {  	[smem:$0x3FAF] =	sst s1  }
0xa: {  	[smem:$0x3FB0] =	sst s2  }
0xb: {  	[smem:$0x3FB1] =	sst s3  }
0xc: {  	[smem:$0x3FB2] =	sst s4  }
0xd: {  	[smem:$0x3FB3] =	sst s5  }
0xe: {  	[smem:$0x3FB4] =	sst s6  }
0xf: {  	[smem:$0x3FB5] =	sst s7  }
0x10: {  	[smem:$0x3FB6] =	sst s8  }
0x11: {  	[smem:$0x3FB7] =	sst s9;
	s0 =	simm.s32 @!p0 $0x0  }
0x12: {  	s1 =	sld [smem:$0x3F9D];
	s0 =	simm.s32 @p0 $0x1  }
0x13: {  	[smem:$0x3FB8] =	sst s0;
	s0 =	simm.s32 @!p1 $0x0  }
0x14: {  	s2 =	sld [smem:$0x3F9C];
	s0 =	simm.s32 @p1 $0x1  }
0x15: {  	[smem:$0x3FB9] =	sst s0;
	s0 =	simm.s32 @!p2 $0x0  }
0x16: {  	s3 =	sld [smem:$0x3FDB];
	s0 =	simm.s32 @p2 $0x1  }
0x17: {  	s4 =	simm.s32 $0x1BF5;
	[smem:$0x3FBB] =	sst s0  }
0x18: {  	s0 =	sld [smem:$0x3F9E];
	_ =	swait.ge [sflag:s4], $0x0  }
0x19: {  	s7 =	sld [smem:$0x3F9F]  }
0x1a: {  	s8 =	sadd.s32 $0xFFFFE003, lr  }
0x1b: {  	s9 =	sadd.s32 $0xFFFFFEF7, lr;
	s5 =	simm.s32 $0xFFFFFFFF;
	p2 =	slt.u32 s8, $0xFFFFF086  }
0x1c: {  	p1 =	slt.u32 s9, $0xF7A;
	s5 =	simm.s32 @!p2 $0x0  }
0x1d: {  	s5 =	simm.s32 @p1 $0x1;
	p0 =	seq.s32 s7, s2  }
0x1e: {  	s7 =	smul.u32 @!p0 $0xF7A, s2;
	p2 =	seq.s32 @!p0 s5, $0x0  }
0x1f: {  	s9 =	smul.u32 $0xF7A, s1;
	s8 =	simm.s32 @!p0 $0x1BF5;
	p2 =	por !p2, p0  }
0x20: {  	[sflag:s8] =	ssyncset.s32 @!p0 $0xFFFFF086;
	s6 =	sadd.s32 @!p0 s3, s7;
	s7 =	simm.s32 @!p0 $0x108  }
0x21: {  	s3 =	sadd.s32 s3, s9;
	s6 =	sadd.s32 @!p0 $0x88, s6;
	s7 =	simm.s32 @p2 $0x1082  }
0x22: {  	[simem:s7], [sflag:s8] =	dma.local @!p0 [hbm:s6], $0xF7A  }
0x23: {  	s9 =	sor.u32 $0xD0000000, s2;
	s6 =	simm.s32 $0x108;
	_ =	swait.ge @!p0 [sflag:s8], $0x0  }
0x24: {  	s3 =	sadd.s32 $0x88, s3;
	s6 =	simm.s32 @!p1 $0x1082;
	[sflag:s4] =	ssyncset.s32 $0xFFFFF086  }
0x25: {  	[simem:s6], [sflag:s4] =	dma.local [hbm:s3], $0xF7A  }
0x26: {  	[smem:$0x3F9F] =	sst s1;
	(tag) =	ssettag s2;
	_ =	strace s9  }
0x27: {  	s1 =	sld [smem:$0x3FAF]  }
0x28: {  	s2 =	sld [smem:$0x3FB0]  }
0x29: {  	s4 =	sld [smem:$0x3FB2]  }
0x2a: {  	p0 =	seq.s32 s5, $0x0;
	s5 =	sld [smem:$0x3FB3]  }
0x2b: {  	s6 =	sld [smem:$0x3FB4]  }
0x2c: {  	s7 =	sld [smem:$0x3FB5]  }
0x2d: {  	s3 =	simm.s32 $0x108;
	s8 =	sld [smem:$0x3FB6]  }
0x2e: {  	s3 =	simm.s32 @!p0 $0x1082;
	s9 =	sld [smem:$0x3FB7]  }
0x2f: {  	lr =	sadd.s32 s0, s3;
	s0 =	sld [smem:$0x3FAE]  }
0x30: {  	s3 =	sld [smem:$0x3FB1]  }
0x31: {  	[smem:$0x3FBA] =	sst s10  }
0x32: {  	s10 =	sld [smem:$0x3FB8];
	_ =	sdelay $0x3  }
0x33: {  	p0 =	seq.s32 s10, $0x1;
	s10 =	sld [smem:$0x3FBA];
	_ =	sdelay $0x3  }
0x34: {  	[smem:$0x3FBA] =	sst s10  }
0x35: {  	s10 =	sld [smem:$0x3FB9];
	_ =	sdelay $0x3  }
0x36: {  	p1 =	seq.s32 s10, $0x1;
	s10 =	sld [smem:$0x3FBA];
	_ =	sdelay $0x3  }
0x37: {  	[smem:$0x3FBA] =	sst s10  }
0x38: {  	s10 =	sld [smem:$0x3FBB]  }
0x39: {  	_ = 	snop;
	(pc) =	sbr.ind lr, $3  }
0x3a: {  	_ = 	snop  }
0x3b: {  	_ = 	snop  }
0x3c: {  	p2 =	seq.s32 s10, $0x1;
	s10 =	sld [smem:$0x3FBA]  }
0x3d: {  	_ =	shalt  }
0x3e: {  	_ =	shalt  }
0x3f: {  	_ =	shalt  }
0x40: {  	_ =	shalt  }
0x41: {  	_ =	shalt  }
0x42: {  	_ =	shalt  }
0x43: {  	_ =	shalt  }
0x44: {  	_ =	shalt  }
0x45: {  	_ =	shalt  }
0x46: {  	_ =	shalt  }
0x47: {  	_ =	shalt  }
0x48: {  	_ =	shalt  }
0x49: {  	_ =	shalt  }
0x4a: {  	_ =	shalt  }
0x4b: {  	_ =	shalt  }
0x4c: {  	_ =	shalt  }
0x4d: {  	_ =	shalt  }
0x4e: {  	_ =	shalt  }
0x4f: {  	_ =	shalt  }
0x50: {  	_ =	shalt  }
0x51: {  	_ =	shalt  }
0x52: {  	_ =	shalt  }
0x53: {  	_ =	shalt  }
0x54: {  	_ =	shalt  }
0x55: {  	_ =	shalt  }
0x56: {  	_ =	shalt  }
0x57: {  	_ =	shalt  }
0x58: {  	_ =	shalt  }
0x59: {  	_ =	shalt  }
0x5a: {  	_ =	shalt  }
0x5b: {  	_ =	shalt  }
0x5c: {  	_ =	shalt  }
0x5d: {  	_ =	shalt  }
0x5e: {  	_ =	shalt  }
0x5f: {  	_ =	shalt  }
0x60: {  	_ =	shalt  }
0x61: {  	_ =	shalt  }
0x62: {  	_ =	shalt  }
0x63: {  	_ =	shalt  }
0x64: {  	_ =	shalt  }
0x65: {  	_ =	shalt  }
0x66: {  	_ =	shalt  }
0x67: {  	_ =	shalt  }
0x68: {  	_ =	shalt  }
0x69: {  	_ =	shalt  }
0x6a: {  	_ =	shalt  }
0x6b: {  	_ =	shalt  }
0x6c: {  	_ =	shalt  }
0x6d: {  	_ =	shalt  }
0x6e: {  	_ =	shalt  }
0x6f: {  	_ =	shalt  }
0x70: {  	_ =	shalt  }
0x71: {  	_ =	shalt  }
0x72: {  	_ =	shalt  }
0x73: {  	_ =	shalt  }
0x74: {  	_ =	shalt  }
0x75: {  	_ =	shalt  }
0x76: {  	_ =	shalt  }
0x77: {  	_ =	shalt  }
0x78: {  	_ =	shalt  }
0x79: {  	_ =	shalt  }
0x7a: {  	_ =	shalt  }
0x7b: {  	_ =	shalt  }
0x7c: {  	_ =	shalt  }
0x7d: {  	_ =	shalt  }
0x7e: {  	_ =	shalt  }
0x7f: {  	_ =	shalt  }
0x80: {  	_ =	shalt  }
0x81: {  	_ =	shalt  }
0x82: {  	_ =	shalt  }
0x83: {  	_ =	shalt  }
0x84: {  	_ =	shalt  }
0x85: {  	_ =	shalt  }
0x86: {  	_ =	shalt  }
0x87: {  	_ =	shalt  }
.Lfunc_end0:
.L_simem_size_0:
called_computation_lowered:
.L_overlay_start_0:
0x88: {  	s2 =	sld [smem:$0x3FD9]  }
0x89: {  	s3 =	sld [smem:$0x3FFE];
	_ =	sdelay $0x1  }
0x8a: {  	s1 =	srdreg.scid  }
0x8b: {  	s0 =	sand.u32 $0x1, s1  }
0x8c: {  	s18 =	sshll.u32 s0, $0xA;
	s2 =	sadd.s32 s3, s2  }
0x8d: {  	s2 =	sadd.s32 s2, s18  }
0x8e: {  	[smem:$0x3FC6] =	sst s2  }
0x8f: {  	_ = 	snop  }
0x90: {  	s2 =	sld [smem:$0x3FC9]  }
0x91: {  	s19 =	sld [smem:$0x3FC8]  }
0x92: {  	s4 =	sld [smem:$0x3FD0];
	(tm) =	ssettm $0x1  }
0x93: {  	s5 =	sld [smem:$0x3FFB];
	_ =	sdelay $0x3  }
0x94: {  	_ =	strace s5  }
0x95: {  	s5 =	sld [smem:$0x3FFC];
	_ =	sdelay $0x3  }
0x96: {  	_ =	strace s5  }
0x97: {  	s5 =	sld [smem:$0x3FFD];
	_ =	sdelay $0x3  }
0x98: {  	_ =	strace s5  }
0x99: {  	_ =	strace $0x8FFFFFFF  }
0x9a: {  	s20 =	sld [smem:$0x3FDB];
	_ =	sdelay $0x1  }
0x9b: {  	s6 =	simm.s32 $_scs_section_size  }
0x9c: {  	s7 =	simm.s32 $_size__tile_overlayer_lowered;
	s8 =	simm.s32 $_tile_overlayer_lowered  }
0x9d: {  	s23 =	simm.s32 $0x1BFF;
	s22 =	sshll.u32 s8, $0x1;
	s5 =	sadd.s32 s6, s20  }
0x9e: {  	s9 =	simm.s32 $0x0;
	s21 =	sshll.u32 s7, $0x1;
	s7 =	sadd.s32 s22, s5  }
0x9f: {  	[timem:s9], [sflag:s23] =	dma.local [hbm:s7], s21  }
0xa0: {  	_ =	swait.ge [sflag:s23], s21  }
0xa1: {  	s6 =	ssub.s32 $0x0, s21;
	[sflag:s23] =	ssyncset.done $0x0  }
0xa2: {  	[sflag:s23] =	ssyncadd.s32 s6;
	_ =	sdelay $0x1  }
0xa3: {  	s24 =	simm.s32 $0x1B8B  }
0xa4: {  	_ =	swait.ge [sflag:s24], $0x1  }
0xa5: {  	[sflag:s24] =	ssyncset.done $0x0  }
0xa6: {  	s25 =	simm.s32 $0x1B8E;
	[sflag:s24] =	ssyncadd.s32 $0xFFFFFFFF  }
0xa7: {  	s26 =	simm.s32 $execute0_lowered;
	[smem:$0x3FD2] =	sst s25  }
0xa8: {  	s6 =	sshll.u32 s26, $0x1;
	_ =	strace $0x80000046;
	[dreg:$0x1] =	wrdreg $0xFFFFFFFF  }
0xa9: {  	s28 =	simm.s32 $_size_execute0_lowered;
	s5 =	sadd.s32 s5, s6;
	[dreg:$0x0] =	wrdreg $0x0  }
0xaa: {  	s6 =	sshll.u32 s28, $0x1;
	[dreg:$0x2] =	wrdreg s5  }
0xab: {  	[dreg:$0x3] =	wrdreg s6  }
0xac: {  	[dreg:$0x4] =	wrdreg $0xC0  }
0xad: {  	_ =	task [dreg:s9], $0x5FFFF  }
0xae: {  	[dreg:$0x1] =	wrdreg $0xFFFFFFFF  }
0xaf: {  	[dreg:$0x0] =	wrdreg $0x60  }
0xb0: {  	[dreg:$0x2] =	wrdreg s19  }
0xb1: {  	[dreg:$0x3] =	wrdreg s2  }
0xb2: {  	[dreg:$0x4] =	wrdreg s4  }
0xb3: {  	[dreg:$0x5] =	wrdreg $0x9  }
0xb4: {  	_ =	task.clear_ibuf [dreg:s9], $0x6FFFF;
	_ =	strace $0x90000046  }
0xb5: {  	s29 =	simm.s32 $0x9;
	_ =	strace $0x80000048  }
0xb6: {  	_ =	swait.ge [sflag:s29], $0x1  }
0xb7: {  	[sflag:s29] =	ssyncadd.s32 $0xFFFFFFFF  }
0xb8: {  	_ =	strace $0x90000048  }
0xb9: {  	_ =	sfence  }
0xba: {  	s30 =	sld [smem:$0x0];
	_ =	sdelay $0x2  }
0xbb: {  	s31 =	sshll.u32 s1, $0xD;
	s1 =	sshrl.u32 s1, $0x2  }
0xbc: {  	s3 =	sand.u32 $0x4000, s31;
	s1 =	sadd.s32 s1, s30  }
0xbd: {  	s0 =	sor.u32 s3, s0;
	s1 =	sshll.u32 s1, $0x11  }
0xbe: {  	s0 =	sor.u32 s1, s0  }
0xbf: {  	s0 =	sadd.s32 $0x8F2B, s0  }
0xc0: {  	[sflag:s0] =	ssyncadd.remote.s32 $0x1  }
0xc1: {  	_ =	sfence.sel $0xFFFF  }
0xc2: {  	[dreg:$0x0] =	wrdreg $0xFFFFFFFF;
	(pc) =	sbr.abs _section_cstart, $3  }
0xc3: {  	[dreg:$0x1] =	wrdreg $0xFFFFFFFF  }
0xc4: {  	_ =	task.clear_ibuf [dreg:s9], $0x2FFFF;
	_ =	strace $0x9FFFFFFF  }
0xc5: {  	(tm) =	ssettm $0x7FFFFFFF  }
tec
execute0_lowered:
.L_overlay_start_1:
0x0: {  	(tag) =	ssettag $0x1  }
0x1: {  	v0 =	vimm.s32 $0xEDCBA987;
	v1 =	vimm.s32 $0x65432100;
	s6 =	rddreg [dreg:$0x0];
	v3 =	vimm.s32 $0xDCBA9876  }
0x2: {  	s0 =	rddreg [dreg:$0x1];
	vm0 =	vcmask $0x300;
	v5 =	vimm.s32 $0xFFFFFFFF;
	v6 =	vimm.s32 $0xE40000  }
0x3: {  	s3 =	rddreg [dreg:$0x2];
	v7 =	vimm.s32 $0xBA987654;
	v8 =	vimm.s32 $0x32100000;
	v0 =	vunpack.c.l.s4.s8 v0  }
0x4: {  	s1 =	srdreg.scid;
	s2 =	stileid.u32;
	v9 =	vimm.s32 $0x7060504;
	v1 =	vunpack.c.l.s4.s8 v1;
	v3 =	vunpack.c.l.s4.s8 v3  }
0x5: {  	s4 =	simm.s32 $0x0;
	s15 =	simm.s32 $0x1;
	s16 =	simm.s32 $0x400;
	v6 =	vunpack.c.l.s2.s4 v6;
	v7 =	vunpack.c.l.s4.s8 v7;
	v2 =	vunpack.c.0.s8.s32 v0  }
0x6: {  	s17 =	simm.s32 $0x880;
	s28 =	simm.s32 $0x5D00;
	s29 =	simm.s32 $0x6500;
	v8 =	vunpack.c.l.s4.s8 v8;
	v9 =	vunpack.c.0.s8.s32 v9;
	v1 =	vunpack.c.0.s8.s32 v1  }
0x7: {  	s30 =	simm.s32 $0x6D00;
	s31 =	simm.s32 $0x7500;
	s1 =	sand.u32 $0x1, s1;
	v0 =	vlaneseq.u32;
	v3 =	vunpack.c.0.s8.s32 v3;
	v2 =	vand.u32 $0xF, v2  }
0x8: {  	s2 =	sshll.u32 s2, $0xB;
	[smem:$0x7FF] =	sst s4;
	s25 =	sadd.s32 $0x10, s6;
	v6 =	vunpack.c.l.s4.s8 v6;
	v1 =	vcombine.low v1, v2;
	v2 =	vimm.s32 $0x54321000  }
0x9: {  	s8 =	sadd.s32 $0x100, s3;
	s9 =	sadd.s32 $0x200, s3;
	s10 =	sadd.s32 $0x300, s3;
	v7 =	vunpack.c.0.s8.s32 v7;
	v8 =	vunpack.c.0.s8.s32 v8;
	v4 =	vunpack.c.l.s4.s8 v2  }
0xa: {  	s6 =	simm.s32 $0x0;
	s5 =	sshll.u32 s1, $0xA;
	s1 =	ssub.s32 $0x2, s1;
	v11 =	vshrl.u32 v0, $0x3;
	v12 =	vor.u32 $0x8, v0;
	v6 =	vunpack.c.0.s8.s32 v6  }
0xb: {  	_ =	strace $0x80000047;
	[dreg:$0x6] =	wrdreg s25;
	s25 =	simm.s32 $0x4D00;
	v3 =	vand.u32 $0xF, v3;
	v7 =	vand.u32 $0xF, v7;
	v4 =	vunpack.c.0.s8.s32 v4  }
.Ltmp0:
0xc: {  	s5 =	sor.u32 s5, s2;
	s24 =	sshrl.u32 s1, $0x1;
	v2 =	vsel vm0, $0x0, v5;
	vm0 =	vcmask $0x700;
	v10 =	vand.u32 $0x3, v6;
	(pc) =	sbr.rel .LBB2_1-.Ltmp0, $4  }
0xd: {  	s2 =	simm.s32 $0x8500;
	[dreg:$0x4] =	wrdreg s5;
	s5 =	sshrl.u32 s5, $0x3;
	v3 =	vcombine.low v4, v3;
	v4 =	vsel vm0, $0x0, v5;
	vm0 =	vcmask $0xF00  }
0xe: {  	s1 =	ssub.s32 s1, s24;
	s24 =	simm.s32 $0x4500;
	s0 =	sadd.s32 s0, s5;
	v6 =	vcombine.low v8, v7;
	v5 =	vsel vm0, $0x0, v5;
	vm0 =	vcmask $0x3F30  }
0xf: {  	s26 =	smax.u32 s1, $0x1;
	s1 =	simm.s32 $0x7D00;
	[dreg:$0x5] =	wrdreg s0;
	v8 =	vmul.u32 $0xFFFFFFFF, v11;
	v11 =	vmul.u32 $0x8, v11;
	v7 =	vsel vm0, v9, v10  }
0x10: {  	[dreg:$0x7] =	wrdreg s26;
	s26 =	simm.s32 $0x5500;
	s0 =	simm.s32 $0x8D00;
	v9 =	vimm.s32 $0xF;
	v10 =	vand.u32 $0x7, v0;
	vm0 =	vmmov $0xffff  }
.LBB2_20:
0x11: {  	[sflag:s15] =	ssyncadd.s32 $0xFFFFC000  }
.LBB2_21:
0x12: {  	s6 =	sadd.s32 $0x1, s6;
	s5 =	rddreg [dreg:$0x7]  }
0x13: {  	p0 =	sne.s32 s6, s5  }
.Ltmp1:
0x14: {  	_ = 	snop;
	(pc) =	sbr.rel @!p0 .LBB2_22-.Ltmp1, $1  }
0x15: {  	_ =	sdelay $0x3  }
.LBB2_1:
0x16: {  	[dreg:$0x8] =	wrdreg s6  }
0x17: {  	s5 =	rddreg [dreg:$0x5]  }
0x18: {  	s14 =	simm.s32 $0xD00;
	s18 =	rddreg [dreg:$0x0]  }
0x19: {  	[tilespmem:s4], [sflag:$0x1] =	stream.linear.gather [hbm4b:s5+s4], $0x400, $0x38;
	[tilespmem:$0x9500] =	vst v63  }
0x1a: {  	s11 =	simm.s32 $0x80;
	s12 =	simm.s32 $0x100;
	s13 =	simm.s32 $0x2  }
0x1b: {  	[tilespmem:s14], [sflag:$0x2] =	stream.strided.gather [hbm4b:s18+s11], $0x400, s12, s11, $0x38;
	[tilespmem:$0x9500] =	vst v63  }
0x1c: {  	_ =	swait.ge [sflag:s13], $0x400  }
0x1d: {  	[sflag:s13] =	ssyncset.done $0x0  }
0x1e: {  	s19 =	simm.s32 $0x1100;
	s7 =	rddreg [dreg:$0x6];
	[sflag:s13] =	ssyncadd.s32 $0xFFFFFC00  }
0x1f: {  	[tilespmem:s19], [sflag:$0x2] =	stream.strided.gather [hbm4b:s7+s11], $0x400, s12, s11, $0x38;
	[tilespmem:$0x9500] =	vst v63  }
0x20: {  	_ =	swait.ge [sflag:s13], $0x400  }
0x21: {  	[sflag:s13] =	ssyncset.done $0x0  }
0x22: {  	[sflag:s13] =	ssyncadd.s32 $0xFFFFFC00  }
0x23: {  	v13 =	vld [tilespmem:s19+$0x0];
	_ =	sdelay $0x2  }
0x24: {  	s20 =	sand.u32 $0x60, s4;
	s18 =	sand.u32 $0x1C00, s4  }
0x25: {  	s21 =	sor.u32 s20, s18  }
0x26: {  	v14 =	vld [tilespmem:s14+$0x0];
	[tilespmem:s21+$0x5780] =	vst v13  }
0x27: {  	[tilespmem:s21+$0x5580] =	vst v13  }
0x28: {  	[tilespmem:s21+$0x5600] =	vst v13  }
0x29: {  	[tilespmem:s21+$0x5680] =	vst v13  }
0x2a: {  	[tilespmem:s21+$0x5500] =	vst v13  }
0x2b: {  	[tilespmem:s21+$0x5700] =	vst v13  }
0x2c: {  	[tilespmem:s21+$0x1780] =	vst v14  }
0x2d: {  	[tilespmem:s21+$0x1700] =	vst v14  }
0x2e: {  	s22 =	sand.u32 $0x3, s4;
	[tilespmem:s21+$0x1680] =	vst v14  }
0x2f: {  	s5 =	sshll.u32 s22, $0x5;
	[tilespmem:s21+$0x1600] =	vst v14  }
0x30: {  	s19 =	sadd.s32 $0x0, s5;
	[tilespmem:s21+$0x1500] =	vst v14  }
0x31: {  	s5 =	sor.u32 $0x300, s19;
	[tilespmem:s21+$0x1580] =	vst v14  }
0x32: {  	s22 =	sor.u32 s4, s4;
	[tilespmem:s5+$0x1500] =	vst v14  }
0x33: {  	s23 =	sor.u32 $0x380, s22;
	[tilespmem:s5+$0x5500] =	vst v13  }
0x34: {  	[tilespmem:s23+$0x1500] =	vst v14  }
0x35: {  	[tilespmem:s23+$0x5500] =	vst v13  }
0x36: {  	[tilespmem:s21+$0x7780] =	vst v13  }
0x37: {  	s6 =	simm.s32 $0x0;
	s20 =	sor.u32 $0x10, s20;
	[tilespmem:s21+$0x3780] =	vst v14  }
0x38: {  	s7 =	simm.s32 $0x0;
	s11 =	simm.s32 $0xD20;
	s12 =	simm.s32 $0x0;
	[tilespmem:s21+$0x3700] =	vst v14  }
0x39: {  	s13 =	simm.s32 $0x20;
	s14 =	simm.s32 $0x0;
	s5 =	simm.s32 $0x1120;
	[tilespmem:s21+$0x7680] =	vst v13  }
.LBB2_2:
0x3a: {  	s7 =	sadd.s32 $0x2, s7;
	[tilespmem:s21+$0x7700] =	vst v13;
	s14 =	sadd.s32 $0x100, s14;
	s12 =	sadd.s32 $0x1, s12  }
0x3b: {  	p0 =	slt.u32 s7, $0x3E;
	[tilespmem:s21+$0x3680] =	vst v14  }
0x3c: {  	[tilespmem:s21+$0x3580] =	vst v14  }
0x3d: {  	[tilespmem:s21+$0x7600] =	vst v13  }
0x3e: {  	[tilespmem:s21+$0x7500] =	vst v13  }
0x3f: {  	[tilespmem:s21+$0x3600] =	vst v14  }
0x40: {  	[tilespmem:s21+$0x3500] =	vst v14  }
0x41: {  	[tilespmem:s21+$0x7580] =	vst v13;
	s21 =	sor.u32 $0x2300, s19  }
0x42: {  	[tilespmem:s21+$0x1500] =	vst v14  }
0x43: {  	[tilespmem:s21+$0x5500] =	vst v13;
	s21 =	sor.u32 $0x2380, s22  }
0x44: {  	s22 =	sand.u32 $0x380, s6;
	s6 =	smov.u32 s13;
	[tilespmem:s21+$0x1500] =	vst v14  }
0x45: {  	[tilespmem:s21+$0x5500] =	vst v13;
	s21 =	sor.u32 s22, s20  }
0x46: {  	v13 =	vld [tilespmem:s21+$0xD00]  }
0x47: {  	v14 =	vld [tilespmem:s21+$0x1100];
	_ =	sdelay $0x2  }
0x48: {  	s18 =	sor.u32 s18, s20  }
0x49: {  	[tilespmem:s18+$0x1780] =	vst v13  }
0x4a: {  	[tilespmem:s18+$0x1680] =	vst v13  }
0x4b: {  	[tilespmem:s18+$0x1600] =	vst v13  }
0x4c: {  	[tilespmem:s18+$0x1500] =	vst v13  }
0x4d: {  	[tilespmem:s18+$0x5780] =	vst v14  }
0x4e: {  	[tilespmem:s18+$0x5700] =	vst v14  }
0x4f: {  	[tilespmem:s18+$0x1700] =	vst v13  }
0x50: {  	[tilespmem:s18+$0x5680] =	vst v14  }
0x51: {  	[tilespmem:s18+$0x1580] =	vst v13  }
0x52: {  	[tilespmem:s18+$0x5600] =	vst v14  }
0x53: {  	s19 =	sadd.s32 $0x10, s19;
	[tilespmem:s18+$0x5580] =	vst v14  }
0x54: {  	s20 =	sor.u32 $0x300, s19;
	[tilespmem:s18+$0x5500] =	vst v14  }
0x55: {  	[tilespmem:s20+$0x1500] =	vst v13  }
0x56: {  	[tilespmem:s20+$0x5500] =	vst v14;
	s20 =	sor.u32 $0x380, s19  }
0x57: {  	[tilespmem:s20+$0x1500] =	vst v13  }
0x58: {  	[tilespmem:s20+$0x5500] =	vst v14  }
0x59: {  	[tilespmem:s18+$0x7780] =	vst v14  }
0x5a: {  	[tilespmem:s18+$0x7700] =	vst v14  }
0x5b: {  	[tilespmem:s18+$0x7680] =	vst v14  }
0x5c: {  	[tilespmem:s18+$0x3780] =	vst v13  }
0x5d: {  	[tilespmem:s18+$0x3700] =	vst v13  }
0x5e: {  	[tilespmem:s18+$0x3600] =	vst v13  }
0x5f: {  	[tilespmem:s18+$0x7600] =	vst v14  }
0x60: {  	[tilespmem:s18+$0x3680] =	vst v13  }
0x61: {  	[tilespmem:s18+$0x7500] =	vst v14  }
0x62: {  	[tilespmem:s18+$0x7580] =	vst v14  }
0x63: {  	[tilespmem:s18+$0x3580] =	vst v13  }
0x64: {  	[tilespmem:s18+$0x3500] =	vst v13;
	s18 =	sor.u32 $0x2300, s19  }
0x65: {  	[tilespmem:s18+$0x1500] =	vst v13  }
0x66: {  	[tilespmem:s18+$0x5500] =	vst v14;
	s18 =	sor.u32 $0x2380, s19  }
0x67: {  	[tilespmem:s18+$0x1500] =	vst v13  }
0x68: {  	[tilespmem:s18+$0x5500] =	vst v14  }
0x69: {  	v13 =	vld [tilespmem:s5+$0x0];
	_ =	sdelay $0x2  }
0x6a: {  	s19 =	sand.u32 $0x60, s13;
	s18 =	sand.u32 $0x1C00, s14  }
0x6b: {  	s20 =	sor.u32 $0x10, s19;
	s21 =	sor.u32 s19, s18;
	v14 =	vld [tilespmem:s11+$0x0]  }
0x6c: {  	[tilespmem:s21+$0x5780] =	vst v13  }
0x6d: {  	[tilespmem:s21+$0x5580] =	vst v13  }
0x6e: {  	[tilespmem:s21+$0x5600] =	vst v13  }
0x6f: {  	[tilespmem:s21+$0x5680] =	vst v13  }
0x70: {  	[tilespmem:s21+$0x5500] =	vst v13  }
0x71: {  	[tilespmem:s21+$0x5700] =	vst v13  }
0x72: {  	[tilespmem:s21+$0x1780] =	vst v14  }
0x73: {  	[tilespmem:s21+$0x1700] =	vst v14  }
0x74: {  	s19 =	sand.u32 $0x3, s12;
	[tilespmem:s21+$0x1680] =	vst v14  }
0x75: {  	s19 =	sshll.u32 s19, $0x5;
	[tilespmem:s21+$0x1600] =	vst v14  }
0x76: {  	s19 =	sadd.s32 s19, s14;
	[tilespmem:s21+$0x1500] =	vst v14  }
0x77: {  	s23 =	sor.u32 $0x300, s19;
	[tilespmem:s21+$0x1580] =	vst v14  }
0x78: {  	s22 =	sor.u32 s13, s14;
	[tilespmem:s23+$0x1500] =	vst v14  }
0x79: {  	[tilespmem:s23+$0x5500] =	vst v13;
	s23 =	sor.u32 $0x380, s22  }
0x7a: {  	[tilespmem:s23+$0x1500] =	vst v14  }
.Ltmp2:
0x7b: {  	[tilespmem:s23+$0x5500] =	vst v13;
	(pc) =	sbr.rel @p0 .LBB2_2-.Ltmp2, $4  }
0x7c: {  	[tilespmem:s21+$0x7780] =	vst v13  }
0x7d: {  	[tilespmem:s21+$0x3780] =	vst v14  }
0x7e: {  	[tilespmem:s21+$0x3700] =	vst v14  }
0x7f: {  	s13 =	sadd.s32 $0x20, s13;
	s5 =	sadd.s32 $0x20, s5;
	s11 =	sadd.s32 $0x20, s11;
	[tilespmem:s21+$0x7680] =	vst v13  }
0x80: {  	[tilespmem:s21+$0x7700] =	vst v13  }
0x81: {  	[tilespmem:s21+$0x3680] =	vst v14  }
0x82: {  	[tilespmem:s21+$0x3580] =	vst v14  }
0x83: {  	[tilespmem:s21+$0x7600] =	vst v13  }
0x84: {  	[tilespmem:s21+$0x7500] =	vst v13  }
0x85: {  	[tilespmem:s21+$0x3600] =	vst v14  }
0x86: {  	[tilespmem:s21+$0x3500] =	vst v14  }
0x87: {  	[tilespmem:s21+$0x7580] =	vst v13;
	s5 =	sor.u32 $0x2300, s19  }
0x88: {  	[tilespmem:s5+$0x1500] =	vst v14  }
0x89: {  	s11 =	sor.u32 $0x2380, s22;
	[tilespmem:s5+$0x5500] =	vst v13  }
0x8a: {  	s6 =	sand.u32 $0x380, s6;
	[tilespmem:s11+$0x1500] =	vst v14  }
0x8b: {  	s12 =	sor.u32 s6, s20;
	[tilespmem:s11+$0x5500] =	vst v13  }
0x8c: {  	v13 =	vld [tilespmem:s12+$0xD00];
	_ =	sdelay $0x3  }
0x8d: {  	s13 =	sor.u32 s18, s20;
	v14 =	vld [tilespmem:s12+$0x1100]  }
0x8e: {  	[tilespmem:s13+$0x1780] =	vst v13  }
0x8f: {  	[tilespmem:s13+$0x1680] =	vst v13  }
0x90: {  	[tilespmem:s13+$0x1600] =	vst v13  }
0x91: {  	[tilespmem:s13+$0x1500] =	vst v13  }
0x92: {  	[tilespmem:s13+$0x5780] =	vst v14  }
0x93: {  	[tilespmem:s13+$0x5700] =	vst v14  }
0x94: {  	[tilespmem:s13+$0x1700] =	vst v13  }
0x95: {  	[tilespmem:s13+$0x5680] =	vst v14  }
0x96: {  	[tilespmem:s13+$0x1580] =	vst v13  }
0x97: {  	[tilespmem:s13+$0x5600] =	vst v14  }
0x98: {  	s14 =	sadd.s32 $0x10, s19;
	[tilespmem:s13+$0x5580] =	vst v14  }
0x99: {  	s7 =	sor.u32 $0x300, s14;
	[tilespmem:s13+$0x5500] =	vst v14  }
0x9a: {  	[tilespmem:s7+$0x1500] =	vst v13  }
0x9b: {  	s18 =	sor.u32 $0x380, s14;
	[tilespmem:s7+$0x5500] =	vst v14  }
0x9c: {  	[tilespmem:s18+$0x1500] =	vst v13  }
0x9d: {  	[tilespmem:s18+$0x5500] =	vst v14  }
0x9e: {  	[tilespmem:s13+$0x7780] =	vst v14  }
0x9f: {  	[tilespmem:s13+$0x7700] =	vst v14  }
0xa0: {  	[tilespmem:s13+$0x7680] =	vst v14  }
0xa1: {  	[tilespmem:s13+$0x3780] =	vst v13  }
0xa2: {  	[tilespmem:s13+$0x3700] =	vst v13  }
0xa3: {  	[tilespmem:s13+$0x3600] =	vst v13  }
0xa4: {  	[tilespmem:s13+$0x7600] =	vst v14  }
0xa5: {  	[tilespmem:s13+$0x3680] =	vst v13  }
0xa6: {  	[tilespmem:s13+$0x7500] =	vst v14  }
0xa7: {  	[tilespmem:s13+$0x7580] =	vst v14  }
0xa8: {  	[tilespmem:s13+$0x3580] =	vst v13  }
0xa9: {  	s19 =	sor.u32 $0x2300, s14;
	[tilespmem:s13+$0x3500] =	vst v13  }
0xaa: {  	[tilespmem:s19+$0x1500] =	vst v13  }
0xab: {  	s20 =	sor.u32 $0x2380, s14;
	[tilespmem:s19+$0x5500] =	vst v14  }
0xac: {  	[tilespmem:s20+$0x1500] =	vst v13  }
0xad: {  	[tilespmem:s20+$0x5500] =	vst v14  }
0xae: {  	_ =	swait.ge [sflag:s15], $0x400  }
0xaf: {  	[sflag:s15] =	ssyncset.done $0x0  }
0xb0: {  	s21 =	simm.s32 $0x0;
	[sflag:s15] =	ssyncadd.s32 $0xFFFFFC00  }
0xb1: {  	v13 =	vld [tilespmem:s21+$0x0];
	_ =	sdelay $0x4  }
0xb2: {  	vm1 =	vlt.s32 v13, $0x1  }
0xb3: {  	v14 =	vnsel vm1, $0x1, v13  }
0xb4: {  	v15 =	vperm.xlane v14, v1;
	_ =	sdelay $0x1  }
0xb5: {  	v15 =	vand.u32 v2, v15  }
0xb6: {  	v14 =	vadd.s32 v14, v15  }
0xb7: {  	v15 =	vperm.xlane v14, v3;
	_ =	sdelay $0x1  }
0xb8: {  	v15 =	vand.u32 v4, v15  }
0xb9: {  	v14 =	vadd.s32 v15, v14  }
0xba: {  	v15 =	vperm.xlane v14, v6;
	_ =	sdelay $0x1  }
0xbb: {  	v15 =	vand.u32 v5, v15  }
0xbc: {  	v14 =	vadd.s32 v15, v14  }
0xbd: {  	v15 =	vperm.xlane v14, v7;
	_ =	sdelay $0x1  }
0xbe: {  	v15 =	vand.u32 v8, v15  }
0xbf: {  	v16 =	vimm.s32 $0x0;
	v14 =	vadd.s32 v15, v14  }
0xc0: {  	v15 =	vsub.s32 v16, v14  }
0xc1: {  	v17 =	vadd.s32 v14, v16;
	v15 =	vadd.s32 v0, v15  }
0xc2: {  	vm1 =	veq.s32 v13, $0x0;
	v17 =	vadd.s32 $0xFFFFFFFF, v17;
	vm2 =	vgt.s32 v15, $0x0  }
0xc3: {  	vm3 =	vne.s32 v13, $0x0;
	vm4 =	vgt.s32 v17, $0x0;
	v13 =	vnsel vm2, $0x0, v15  }
0xc4: {  	v15 =	vnsel vm4, $0x0, v17;
	_ =	sdelay $0x1  }
0xc5: {  	s22 =	rddreg [dreg:$0x4]  }
0xc6: {  	v14 =	vperm.xlane v14, v9;
	v17 =	vor.u32 s22, v0  }
0xc7: {  	[tilespmem:v13+s16+$0x0] =	vst.idx.msk vm1, v17  }
0xc8: {  	s23 =	simm.s32 $0x10;
	v13 =	vsub.s32 v16, v14;
	[tilespmem:v15+s17+$0x0] =	vst.idx.msk vm3, v17  }
0xc9: {  	s6 =	simm.s32 $0x80;
	s5 =	smov.u32 s22;
	v14 =	vadd.s32 v16, v14;
	v15 =	vadd.s32 $0x10, v13;
	v16 =	vld [tilespmem:s23+$0x0]  }
.LBB2_4:
0xca: {  	p0 =	sne.s32 s6, $0xFC0;
	_ =	sdelay $0x3  }
0xcb: {  	vm1 =	vne.s32 v16, $0x0;
	vm2 =	veq.s32 v16, $0x0;
	vm3 =	vlt.s32 v16, $0x1  }
0xcc: {  	v13 =	vnsel vm3, $0x1, v16  }
0xcd: {  	v16 =	vperm.xlane v13, v1;
	_ =	sdelay $0x1  }
0xce: {  	v16 =	vand.u32 v2, v16  }
0xcf: {  	v13 =	vadd.s32 v13, v16  }
0xd0: {  	v16 =	vperm.xlane v13, v3;
	_ =	sdelay $0x1  }
0xd1: {  	v16 =	vand.u32 v4, v16  }
0xd2: {  	v13 =	vadd.s32 v16, v13  }
0xd3: {  	v16 =	vperm.xlane v13, v6;
	_ =	sdelay $0x1  }
0xd4: {  	v16 =	vand.u32 v5, v16  }
0xd5: {  	v13 =	vadd.s32 v16, v13  }
0xd6: {  	v16 =	vperm.xlane v13, v7;
	_ =	sdelay $0x1  }
0xd7: {  	v16 =	vand.u32 v8, v16  }
0xd8: {  	v13 =	vadd.s32 v16, v13  }
0xd9: {  	v16 =	vadd.s32 v13, v14;
	v17 =	vsub.s32 v15, v13;
	v13 =	vperm.xlane v13, v9  }
0xda: {  	v17 =	vadd.s32 v0, v17  }
0xdb: {  	v16 =	vadd.s32 $0xFFFFFFFF, v16;
	vm3 =	vgt.s32 v17, $0x0;
	v15 =	vsub.s32 v15, v13  }
0xdc: {  	vm4 =	vgt.s32 v16, $0x0;
	v17 =	vnsel vm3, $0x0, v17;
	v15 =	vadd.s32 $0x10, v15  }
0xdd: {  	v14 =	vadd.s32 v14, v13;
	v16 =	vnsel vm4, $0x0, v16;
	_ =	sdelay $0x1  }
.Ltmp3:
0xde: {  	s5 =	sadd.s32 $0x10, s5;
	(pc) =	sbr.rel @p0 .LBB2_4-.Ltmp3, $4  }
0xdf: {  	v13 =	vor.u32 s5, v0  }
0xe0: {  	[tilespmem:v17+s16+$0x0] =	vst.idx.msk vm2, v13  }
0xe1: {  	s7 =	sshra.s32 s6, $0x2;
	[tilespmem:v16+s17+$0x0] =	vst.idx.msk vm1, v13  }
0xe2: {  	s6 =	sadd.s32 $0x40, s6;
	v16 =	vld [tilespmem:s7+$0x0]  }
0xe3: {  	_ =	sdelay $0x3  }
0xe4: {  	vm1 =	vlt.s32 v16, $0x1  }
0xe5: {  	v13 =	vnsel vm1, $0x1, v16  }
0xe6: {  	v17 =	vperm.xlane v13, v1;
	_ =	sdelay $0x1  }
0xe7: {  	v17 =	vand.u32 v2, v17  }
0xe8: {  	v13 =	vadd.s32 v13, v17  }
0xe9: {  	v17 =	vperm.xlane v13, v3;
	_ =	sdelay $0x1  }
0xea: {  	v17 =	vand.u32 v4, v17  }
0xeb: {  	v13 =	vadd.s32 v17, v13  }
0xec: {  	v17 =	vperm.xlane v13, v6;
	_ =	sdelay $0x1  }
0xed: {  	v17 =	vand.u32 v5, v17  }
0xee: {  	v13 =	vadd.s32 v17, v13  }
0xef: {  	v17 =	vperm.xlane v13, v7;
	_ =	sdelay $0x1  }
0xf0: {  	v17 =	vand.u32 v8, v17  }
0xf1: {  	v18 =	vadd.s32 v17, v13  }
0xf2: {  	v13 =	vperm.xlane v18, v9;
	_ =	sdelay $0x1  }
0xf3: {  	v17 =	vsub.s32 v15, v13  }
0xf4: {  	v17 =	vadd.s32 $0x10, v17  }
0xf5: {  	(v2sf) =	vpush v17, $0x0;
	_ =	sdelay $0x4  }
0xf6: {  	v13 =	vadd.s32 v14, v13  }
0xf7: {  	(v2sf) =	vpush v13, $0x0;
	_ =	sdelay $0x5  }
0xf8: {  	v15 =	vsub.s32 v15, v18  }
0xf9: {  	v14 =	vadd.s32 v18, v14;
	v15 =	vadd.s32 v0, v15  }
0xfa: {  	vm1 =	veq.s32 v16, $0x0;
	v14 =	vadd.s32 $0xFFFFFFFF, v14;
	vm2 =	vgt.s32 v15, $0x0  }
0xfb: {  	vm3 =	vne.s32 v16, $0x0;
	vm4 =	vgt.s32 v14, $0x0;
	v15 =	vnsel vm2, $0x0, v15;
	s6 =	spop (v2sf)  }
0xfc: {  	v14 =	vnsel vm4, $0x0, v14;
	p0 =	sgt.s32 s6, $0x0  }
.Ltmp4:
0xfd: {  	_ = 	snop;
	(pc) =	sbr.rel @!p0 .LBB2_6-.Ltmp4, $4  }
0xfe: {  	s5 =	sadd.s32 $0x10, s5  }
0xff: {  	s14 =	simm.s32 $0x1500;
	v16 =	vor.u32 s5, v0  }
0x100: {  	s18 =	simm.s32 $0x1D00;
	s19 =	simm.s32 $0x2500;
	s20 =	simm.s32 $0x2D00;
	[tilespmem:v15+s16+$0x0] =	vst.idx.msk vm1, v16  }
0x101: {  	s21 =	simm.s32 $0x3500;
	s22 =	simm.s32 $0x3D00;
	[tilespmem:v14+s17+$0x0] =	vst.idx.msk vm3, v16;
	s5 =	spop (v2sf)  }
0x102: {  	s7 =	sand.u32 $0xF, s6  }
0x103: {  	p1 =	seq.s32 s7, $0x0  }
0x104: {  	s11 =	sadd.s32 @!p1 $0xFFFFFFFF, s6;
	s7 =	ssub.s32 @!p1 $0x10, s7;
	s6 =	sadd.s32 $0xF, s6  }
0x105: {  	s12 =	sshll.u32 @!p1 s11, $0x2;
	s13 =	sand.u32 $0xF, s6;
	s23 =	sshra.s32 s6, $0x1F  }
0x106: {  	p2 =	slt.s32 s6, $0x0;
	s12 =	sshra.s32 @!p1 s12, $0x2;
	p3 =	sne.s32 s13, $0x0  }
0x107: {  	v15 =	vbroadcast @!p1 v17, $0x0;
	v17 =	vmov @!p1 s7;
	s7 =	sshrl.u32 s23, $0x1C;
	s12 =	sand.u32 @!p1 $0xFFFFFFF0, s12;
	p2 =	por !p2, !p3  }
0x108: {  	s7 =	sadd.s32 s7, s6;
	v14 =	vld @!p1 [tilespmem:s12+$0x400];
	p2 =	por !p2, !p2;
	s12 =	simm.s32 $0x1  }
0x109: {  	v16 =	vlaneseq.u32 @!p1;
	s7 =	sshra.s32 s7, $0x4;
	s12 =	simm.s32 @!p2 $0x0  }
0x10a: {  	vm1 =	vgt.u32 @!p1 v17, v16;
	v15 =	vadd.s32 @!p1 v16, v15;
	v16 =	vmov @!p1 s11;
	s11 =	ssub.s32 s7, s12  }
0x10b: {  	p2 =	slt.s32 s11, $0x1  }
.Ltmp5:
0x10c: {  	_ = 	snop;
	(pc) =	sbr.rel @p2 .LBB2_11-.Ltmp5, $4  }
0x10d: {  	_ = 	snop  }
0x10e: {  	v14 =	vperm.xlane @!p1 v14, v16  }
0x10f: {  	s12 =	simm.s32 @!p1 $0x400  }
0x110: {  	[tilespmem:v15+s12+$0x0] =	vst.idx.msk @!p1 vm1, v14;
	s12 =	simm.s32 $0x400  }
0x111: {  	v14 =	vld [tilespmem:s12+$0x0];
	_ =	sdelay $0x4  }
0x112: {  	v15 =	vshll.u32 v14, $0x3  }
0x113: {  	v14 =	vand.u32 $0x7, v14;
	v15 =	vand.u32 $0xFFFFFFC0, v15  }
0x114: {  	v14 =	vor.u32 v14, v15  }
0x115: {  	v15 =	vperm.xlane v14, v10;
	_ =	sdelay $0x1  }
0x116: {  	v15 =	vadd.s32 v11, v15;
	_ =	sdelay $0x4  }
0x117: {  	[hbm4b:s3+s4] =	stream.indirect_vreg.scatter [tilespmem:s14], [sflag:$0x1], $0x80, v15, vm0, $0xb8;
	[tilespmem:$0x9500] =	vst v63  }
0x118: {  	v14 =	vperm.xlane v14, v12  }
0x119: {  	[hbm4b:s8+s4] =	stream.indirect_vreg.scatter [tilespmem:s18], [sflag:$0x1], $0x80, v15, vm0, $0xb8;
	[tilespmem:$0x9500] =	vst v63  }
0x11a: {  	v14 =	vadd.s32 v11, v14  }
0x11b: {  	[hbm4b:s9+s4] =	stream.indirect_vreg.scatter [tilespmem:s19], [sflag:$0x1], $0x80, v15, vm0, $0xb8;
	[tilespmem:$0x9500] =	vst v63  }
0x11c: {  	_ = 	snop  }
0x11d: {  	[hbm4b:s10+s4] =	stream.indirect_vreg.scatter [tilespmem:s20], [sflag:$0x1], $0x80, v15, vm0, $0xb8;
	[tilespmem:$0x9500] =	vst v63  }
0x11e: {  	p1 =	sne.s32 s11, $0x1  }
0x11f: {  	[hbm4b:s3+s4] =	stream.indirect_vreg.scatter [tilespmem:s21], [sflag:$0x1], $0x80, v14, vm0, $0xb8;
	[tilespmem:$0x9500] =	vst v63  }
.Ltmp6:
0x120: {  	_ = 	snop;
	(pc) =	sbr.rel @!p1 .LBB2_10-.Ltmp6, $4  }
0x121: {  	_ = 	snop  }
0x122: {  	[hbm4b:s8+s4] =	stream.indirect_vreg.scatter [tilespmem:s22], [sflag:$0x1], $0x80, v14, vm0, $0xb8;
	[tilespmem:$0x9500] =	vst v63  }
0x123: {  	s11 =	sadd.s32 $0xFFFFFFFF, s11;
	s12 =	sadd.s32 $0x10, s12  }
0x124: {  	[hbm4b:s9+s4] =	stream.indirect_vreg.scatter [tilespmem:s24], [sflag:$0x1], $0x80, v14, vm0, $0xb8;
	[tilespmem:$0x9500] =	vst v63  }
.LBB2_9:
0x125: {  	[hbm4b:s10+s4] =	stream.indirect_vreg.scatter [tilespmem:s25], [sflag:$0x1], $0x80, v14, vm0, $0xb8;
	[tilespmem:$0x9500] =	vst v63  }
0x126: {  	p1 =	sne.s32 s11, $0x1;
	s11 =	sadd.s32 $0xFFFFFFFF, s11;
	v14 =	vld [tilespmem:s12+$0x0];
	_ =	sdelay $0x4  }
0x127: {  	v15 =	vshll.u32 v14, $0x3  }
0x128: {  	v14 =	vand.u32 $0x7, v14;
	v15 =	vand.u32 $0xFFFFFFC0, v15  }
0x129: {  	v14 =	vor.u32 v14, v15  }
0x12a: {  	v15 =	vperm.xlane v14, v10;
	v14 =	vperm.xlane v14, v12;
	_ =	sdelay $0x1  }
0x12b: {  	v15 =	vadd.s32 v11, v15;
	_ =	sdelay $0x4  }
0x12c: {  	[hbm4b:s3+s4] =	stream.indirect_vreg.scatter [tilespmem:s14], [sflag:$0x1], $0x80, v15, vm0, $0xb8;
	[tilespmem:$0x9500] =	vst v63  }
0x12d: {  	_ = 	snop  }
0x12e: {  	[hbm4b:s8+s4] =	stream.indirect_vreg.scatter [tilespmem:s18], [sflag:$0x1], $0x80, v15, vm0, $0xb8;
	[tilespmem:$0x9500] =	vst v63  }
0x12f: {  	v14 =	vadd.s32 v11, v14  }
0x130: {  	[hbm4b:s9+s4] =	stream.indirect_vreg.scatter [tilespmem:s19], [sflag:$0x1], $0x80, v15, vm0, $0xb8;
	[tilespmem:$0x9500] =	vst v63  }
0x131: {  	_ = 	snop  }
0x132: {  	[hbm4b:s10+s4] =	stream.indirect_vreg.scatter [tilespmem:s20], [sflag:$0x1], $0x80, v15, vm0, $0xb8;
	[tilespmem:$0x9500] =	vst v63  }
0x133: {  	_ = 	snop  }
0x134: {  	[hbm4b:s3+s4] =	stream.indirect_vreg.scatter [tilespmem:s21], [sflag:$0x1], $0x80, v14, vm0, $0xb8;
	[tilespmem:$0x9500] =	vst v63  }
.Ltmp7:
0x135: {  	(pc) =	sbr.rel @p1 .LBB2_9-.Ltmp7, $4  }
0x136: {  	[hbm4b:s8+s4] =	stream.indirect_vreg.scatter [tilespmem:s22], [sflag:$0x1], $0x80, v14, vm0, $0xb8;
	[tilespmem:$0x9500] =	vst v63  }
0x137: {  	_ = 	snop  }
0x138: {  	[hbm4b:s9+s4] =	stream.indirect_vreg.scatter [tilespmem:s24], [sflag:$0x1], $0x80, v14, vm0, $0xb8;
	[tilespmem:$0x9500] =	vst v63  }
0x139: {  	s12 =	sadd.s32 $0x10, s12  }
.LBB2_10:
.Ltmp8:
0x13a: {  	_ = 	snop;
	(pc) =	sbr.rel .LBB2_11-.Ltmp8, $2  }
0x13b: {  	_ =	sdelay $0x2  }
0x13c: {  	[hbm4b:s10+s4] =	stream.indirect_vreg.scatter [tilespmem:s25], [sflag:$0x1], $0x80, v14, vm0, $0xb8;
	[tilespmem:$0x9500] =	vst v63  }
.LBB2_6:
0x13d: {  	s6 =	sadd.s32 $0xF, s6  }
0x13e: {  	s7 =	sshra.s32 s6, $0x1F  }
0x13f: {  	s7 =	sshrl.u32 s7, $0x1C  }
0x140: {  	s7 =	sadd.s32 s7, s6  }
0x141: {  	s13 =	sand.u32 $0xF, s6;
	s7 =	sshra.s32 s7, $0x4  }
.LBB2_11:
0x142: {  	p1 =	sgt.s32 s5, $0x0  }
.Ltmp9:
0x143: {  	_ = 	snop;
	(pc) =	sbr.rel @!p1 .LBB2_12-.Ltmp9, $1  }
0x144: {  	_ =	sdelay $0x3  }
0x145: {  	s11 =	sand.u32 $0xF, s5  }
0x146: {  	p2 =	seq.s32 s11, $0x0  }
0x147: {  	s12 =	sadd.s32 @!p2 $0xFFFFFFFF, s5  }
0x148: {  	s11 =	ssub.s32 @!p2 $0x10, s11;
	s5 =	sadd.s32 $0xF, s5;
	s14 =	sshll.u32 @!p2 s12, $0x2  }
0x149: {  	v16 =	vmov @!p2 s11;
	s11 =	sand.u32 $0xF, s5;
	s23 =	sshra.s32 s5, $0x1F;
	s14 =	sshra.s32 @!p2 s14, $0x2  }
0x14a: {  	p3 =	slt.s32 s5, $0x0;
	p4 =	sne.s32 s11, $0x0;
	s14 =	sand.u32 @!p2 $0xFFFFFFF0, s14  }
0x14b: {  	v13 =	vbroadcast @!p2 v13, $0x0;
	p3 =	por !p3, !p4;
	v14 =	vld @!p2 [tilespmem:s14+$0x880];
	s14 =	sshrl.u32 s23, $0x1C  }
0x14c: {  	s18 =	simm.s32 $0x1;
	v15 =	vlaneseq.u32 @!p2;
	p3 =	por !p3, !p3;
	s14 =	sadd.s32 s14, s5  }
0x14d: {  	vm1 =	vgt.u32 @!p2 v16, v15;
	v13 =	vadd.s32 @!p2 v15, v13;
	v15 =	vmov @!p2 s12;
	s18 =	simm.s32 @!p3 $0x0;
	s12 =	sshra.s32 s14, $0x4  }
0x14e: {  	s14 =	ssub.s32 s12, s18  }
0x14f: {  	p3 =	slt.s32 s14, $0x1  }
.Ltmp10:
0x150: {  	_ = 	snop;
	(pc) =	sbr.rel @p3 .LBB2_17-.Ltmp10, $4  }
0x151: {  	_ = 	snop  }
0x152: {  	v14 =	vperm.xlane @!p2 v14, v15  }
0x153: {  	s18 =	simm.s32 @!p2 $0x880  }
0x154: {  	[tilespmem:v13+s18+$0x0] =	vst.idx.msk @!p2 vm1, v14;
	s18 =	simm.s32 $0x880  }
0x155: {  	v13 =	vld [tilespmem:s18+$0x0];
	_ =	sdelay $0x4  }
0x156: {  	v14 =	vshll.u32 v13, $0x3  }
0x157: {  	v13 =	vand.u32 $0x7, v13;
	v14 =	vand.u32 $0xFFFFFFC0, v14  }
0x158: {  	v13 =	vor.u32 v13, v14  }
0x159: {  	v14 =	vperm.xlane v13, v10;
	_ =	sdelay $0x1  }
0x15a: {  	v14 =	vadd.s32 v11, v14;
	_ =	sdelay $0x4  }
0x15b: {  	[hbm4b:s3+s4] =	stream.indirect_vreg.scatter [tilespmem:s26], [sflag:$0x1], $0x80, v14, vm0, $0xb8;
	[tilespmem:$0x9500] =	vst v63  }
0x15c: {  	v13 =	vperm.xlane v13, v12  }
0x15d: {  	[hbm4b:s8+s4] =	stream.indirect_vreg.scatter [tilespmem:s28], [sflag:$0x1], $0x80, v14, vm0, $0xb8;
	[tilespmem:$0x9500] =	vst v63  }
0x15e: {  	v13 =	vadd.s32 v11, v13  }
0x15f: {  	[hbm4b:s9+s4] =	stream.indirect_vreg.scatter [tilespmem:s29], [sflag:$0x1], $0x80, v14, vm0, $0xb8;
	[tilespmem:$0x9500] =	vst v63  }
0x160: {  	_ = 	snop  }
0x161: {  	[hbm4b:s10+s4] =	stream.indirect_vreg.scatter [tilespmem:s30], [sflag:$0x1], $0x80, v14, vm0, $0xb8;
	[tilespmem:$0x9500] =	vst v63  }
0x162: {  	p2 =	sne.s32 s14, $0x1  }
0x163: {  	[hbm4b:s3+s4] =	stream.indirect_vreg.scatter [tilespmem:s31], [sflag:$0x1], $0x80, v13, vm0, $0xb8;
	[tilespmem:$0x9500] =	vst v63  }
.Ltmp11:
0x164: {  	_ = 	snop;
	(pc) =	sbr.rel @!p2 .LBB2_16-.Ltmp11, $4  }
0x165: {  	_ = 	snop  }
0x166: {  	[hbm4b:s8+s4] =	stream.indirect_vreg.scatter [tilespmem:s1], [sflag:$0x1], $0x80, v13, vm0, $0xb8;
	[tilespmem:$0x9500] =	vst v63  }
0x167: {  	s14 =	sadd.s32 $0xFFFFFFFF, s14;
	s18 =	sadd.s32 $0x10, s18  }
0x168: {  	[hbm4b:s9+s4] =	stream.indirect_vreg.scatter [tilespmem:s2], [sflag:$0x1], $0x80, v13, vm0, $0xb8;
	[tilespmem:$0x9500] =	vst v63  }
.LBB2_15:
0x169: {  	[hbm4b:s10+s4] =	stream.indirect_vreg.scatter [tilespmem:s0], [sflag:$0x1], $0x80, v13, vm0, $0xb8;
	[tilespmem:$0x9500] =	vst v63  }
0x16a: {  	p2 =	sne.s32 s14, $0x1;
	s14 =	sadd.s32 $0xFFFFFFFF, s14;
	v13 =	vld [tilespmem:s18+$0x0];
	_ =	sdelay $0x4  }
0x16b: {  	v14 =	vshll.u32 v13, $0x3  }
0x16c: {  	v13 =	vand.u32 $0x7, v13;
	v14 =	vand.u32 $0xFFFFFFC0, v14  }
0x16d: {  	v13 =	vor.u32 v13, v14  }
0x16e: {  	v14 =	vperm.xlane v13, v10;
	v13 =	vperm.xlane v13, v12;
	_ =	sdelay $0x1  }
0x16f: {  	v14 =	vadd.s32 v11, v14;
	_ =	sdelay $0x4  }
0x170: {  	[hbm4b:s3+s4] =	stream.indirect_vreg.scatter [tilespmem:s26], [sflag:$0x1], $0x80, v14, vm0, $0xb8;
	[tilespmem:$0x9500] =	vst v63  }
0x171: {  	_ = 	snop  }
0x172: {  	[hbm4b:s8+s4] =	stream.indirect_vreg.scatter [tilespmem:s28], [sflag:$0x1], $0x80, v14, vm0, $0xb8;
	[tilespmem:$0x9500] =	vst v63  }
0x173: {  	v13 =	vadd.s32 v11, v13  }
0x174: {  	[hbm4b:s9+s4] =	stream.indirect_vreg.scatter [tilespmem:s29], [sflag:$0x1], $0x80, v14, vm0, $0xb8;
	[tilespmem:$0x9500] =	vst v63  }
0x175: {  	_ = 	snop  }
0x176: {  	[hbm4b:s10+s4] =	stream.indirect_vreg.scatter [tilespmem:s30], [sflag:$0x1], $0x80, v14, vm0, $0xb8;
	[tilespmem:$0x9500] =	vst v63  }
0x177: {  	_ = 	snop  }
0x178: {  	[hbm4b:s3+s4] =	stream.indirect_vreg.scatter [tilespmem:s31], [sflag:$0x1], $0x80, v13, vm0, $0xb8;
	[tilespmem:$0x9500] =	vst v63  }
.Ltmp12:
0x179: {  	(pc) =	sbr.rel @p2 .LBB2_15-.Ltmp12, $4  }
0x17a: {  	[hbm4b:s8+s4] =	stream.indirect_vreg.scatter [tilespmem:s1], [sflag:$0x1], $0x80, v13, vm0, $0xb8;
	[tilespmem:$0x9500] =	vst v63  }
0x17b: {  	_ = 	snop  }
0x17c: {  	[hbm4b:s9+s4] =	stream.indirect_vreg.scatter [tilespmem:s2], [sflag:$0x1], $0x80, v13, vm0, $0xb8;
	[tilespmem:$0x9500] =	vst v63  }
0x17d: {  	s18 =	sadd.s32 $0x10, s18  }
.LBB2_16:
.Ltmp13:
0x17e: {  	_ = 	snop;
	(pc) =	sbr.rel .LBB2_17-.Ltmp13, $2  }
0x17f: {  	_ =	sdelay $0x2  }
0x180: {  	[hbm4b:s10+s4] =	stream.indirect_vreg.scatter [tilespmem:s0], [sflag:$0x1], $0x80, v13, vm0, $0xb8;
	[tilespmem:$0x9500] =	vst v63  }
.LBB2_12:
0x181: {  	s5 =	sadd.s32 $0xF, s5  }
0x182: {  	s11 =	sshra.s32 s5, $0x1F  }
0x183: {  	s11 =	sshrl.u32 s11, $0x1C  }
0x184: {  	s11 =	sadd.s32 s11, s5  }
0x185: {  	s12 =	sshra.s32 s11, $0x4;
	s11 =	sand.u32 $0xF, s5  }
.LBB2_17:
0x186: {  	p2 =	slt.s32 s6, $0x1  }
0x187: {  	p3 =	sne.s32 s13, $0x0;
	p6 =	slt.s32 s5, $0x1;
	p4 =	sne.s32 s11, $0x0  }
0x188: {  	s5 =	simm.s32 $0x1;
	p2 =	por !p2, !p3;
	p3 =	por !p6, !p4  }
0x189: {  	s6 =	simm.s32 $0x1;
	p2 =	por !p2, !p2;
	p3 =	por !p3, !p3  }
0x18a: {  	s5 =	simm.s32 @!p2 $0x0;
	s6 =	simm.s32 @!p3 $0x0  }
0x18b: {  	s5 =	ssub.s32 s7, s5;
	s6 =	ssub.s32 s12, s6  }
0x18c: {  	s5 =	simm.s32 @!p0 $0x0;
	s6 =	simm.s32 @!p1 $0x0  }
0x18d: {  	s5 =	sadd.s32 s5, s6  }
0x18e: {  	p0 =	slt.s32 s5, $0x1  }
.Ltmp14:
0x18f: {  	_ = 	snop;
	(pc) =	sbr.rel @p0 .LBB2_21-.Ltmp14, $2  }
0x190: {  	_ =	sdelay $0x2  }
0x191: {  	s6 =	rddreg [dreg:$0x8]  }
0x192: {  	p0 =	sne.s32 s5, $0x1  }
.Ltmp15:
0x193: {  	_ = 	snop;
	(pc) =	sbr.rel @!p0 .LBB2_20-.Ltmp15, $3  }
0x194: {  	_ =	sdelay $0x1  }
0x195: {  	_ =	swait.ge [sflag:s15], $0x4000  }
0x196: {  	s5 =	sadd.s32 $0xFFFFFFFF, s5;
	[sflag:s15] =	ssyncset.done $0x0  }
.LBB2_19:
0x197: {  	p0 =	sne.s32 s5, $0x1;
	s5 =	sadd.s32 $0xFFFFFFFF, s5;
	[sflag:s15] =	ssyncadd.s32 $0xFFFFC000  }
.Ltmp16:
0x198: {  	(pc) =	sbr.rel @p0 .LBB2_19-.Ltmp16, $3  }
0x199: {  	_ =	sdelay $0x1  }
0x19a: {  	_ =	swait.ge [sflag:s15], $0x4000  }
0x19b: {  	[sflag:s15] =	ssyncset.done $0x0  }
.Ltmp17:
0x19c: {  	_ = 	snop;
	(pc) =	sbr.rel .LBB2_20-.Ltmp17, $1  }
0x19d: {  	_ =	sdelay $0x3  }
.LBB2_22:
0x19e: {  	_ =	sfence.sel $0x180000  }
0x19f: {  	[bflag:$0x0] =	sbarrier.arrive $0xFFFF  }
0x1a0: {  	_ =	strace $0x90000047  }
0x1a1: {  	s0 =	stileid.u32;
	[bflag:$0x2] =	sbarrier.arrive $0xFFFF  }
0x1a2: {  	p0 =	sne.s32 s0, $0x0;
	s0 =	rddreg [dreg:$0x3]  }
0x1a3: {  	s0 =	sadd.s32 @!p0 $0x100000, s0  }
0x1a4: {  	[sflag:s0] =	ssyncadd.tile.s32 @!p0 $0x1;
	_ =	shalt  }
.Lfunc_end2:
_tile_overlayer_lowered:
.L_overlay_start_2:
0x1a5: {  	(tag) =	ssettag $0x2  }
0x1a6: {  	s0 =	rddreg [dreg:$0x0];
	s2 =	stileid.u32  }
0x1a7: {  	s1 =	rddreg [dreg:$0x1];
	p0 =	sne.s32 s2, $0x0  }
0x1a8: {  	s3 =	rddreg [dreg:$0x2];
	[bflag:$0x3] =	sbarrier.arrive $0xFFFF;
	s2 =	simm.s32 @!p0 $0x1C02  }
0x1a9: {  	[timem:s3], [sflag:s2] =	dma.local @!p0 [hbm:s0], s1  }
0x1aa: {  	s0 =	simm.s32 @!p0 $0x2  }
0x1ab: {  	_ =	swait.ge @!p0 [sflag:s0], s1  }
0x1ac: {  	s1 =	ssub.s32 @!p0 $0x0, s1;
	[sflag:s0] =	ssyncset.done @!p0 $0x0  }
0x1ad: {  	[sflag:s0] =	ssyncadd.s32 @!p0 s1  }
0x1ae: {  	[bflag:$0x3] =	sbarrier.arrive $0xFFFF  }
0x1af: {  	_ =	shalt  }

</sc_bundles>
